<compile_context>
chip_gen: v7x
topology: tpu7x:2x2x1
jax: 0.10.2.dev20260603
libtpu: 0.0.44.dev20260713+nightly
codegen_flags: <defaults>
</compile_context>

<pallas_src>
import functools

import jax
import jax.numpy as jnp
from jax import lax
from jax.experimental import pallas as pl
from jax.experimental.pallas import tpu as pltpu
from jax.experimental.pallas import tpu_sc as plsc


def _fps_body(xyzt_ref, idx_ref, *, B, N, S):
    x3 = xyzt_ref[...]
    iota_n = lax.broadcasted_iota(jnp.int32, (B, N), 1)
    iota_s = lax.broadcasted_iota(jnp.int32, (B, S), 1)

    def body(i, carry):
        dists, far, idxv = carry
        idxv = jnp.where(iota_s == i, far, idxv)
        oh = iota_n == far
        c = jnp.sum(jnp.where(oh[None], x3, 0.0), axis=2,
                    keepdims=True)
        d = jnp.sum((x3 - c) ** 2, axis=0)
        dists = jnp.minimum(dists, d)
        m = jnp.max(dists, axis=1, keepdims=True)
        far = jnp.min(jnp.where(dists == m, iota_n, N), axis=1,
                      keepdims=True)
        return dists, far, idxv

    z = x3[0] * 0.0
    dists0 = z + 1e10
    idxv0 = z[:, :S].astype(jnp.int32)
    far0 = idxv0[:, :1]
    _, _, idxv = lax.fori_loop(0, S, body, (dists0, far0, idxv0))
    bio = lax.broadcasted_iota(jnp.int32, (B, S), 0) * N
    idx_ref[...] = idxv + bio


def _run_fps(xyzt, B, N, S):
    xyzb = jnp.transpose(xyzt, (1, 0, 2))
    return pl.pallas_call(
        functools.partial(_fps_body, B=B, N=N, S=S),
        in_specs=[pl.BlockSpec((3, B, N), lambda: (0, 0, 0))],
        out_specs=pl.BlockSpec((B, S), lambda: (0, 0)),
        out_shape=jax.ShapeDtypeStruct((B, S), jnp.int32),
    )(xyzb)


def _sc_gather(table, idx, chunk=128):
    rows, depth = idx.shape[0], table.shape[1]
    info = plsc.get_sparse_core_info()
    ncores = info.num_cores
    nworkers = ncores * info.num_subcores
    per_w = rows // nworkers
    n_chunks = per_w // chunk
    mesh = plsc.VectorSubcoreMesh(core_axis_name="c", subcore_axis_name="s")

    @functools.partial(
        pl.kernel,
        mesh=mesh,
        out_type=jax.ShapeDtypeStruct((rows, depth), jnp.float32),
        scratch_types=[
            pltpu.VMEM((chunk,), jnp.int32),
            pltpu.VMEM((chunk, depth), jnp.float32),
            pltpu.SemaphoreType.DMA,
        ],
    )
    def gk(table_hbm, idx_hbm, out_hbm, idx_v, rows_v, sem):
        wid = lax.axis_index("s") * ncores + lax.axis_index("c")
        base = wid * per_w

        def body(i, carry):
            off = base + i * chunk
            pltpu.sync_copy(idx_hbm.at[pl.ds(off, chunk)], idx_v)
            pltpu.async_copy(table_hbm.at[idx_v], rows_v, sem).wait()
            pltpu.sync_copy(rows_v, out_hbm.at[pl.ds(off, chunk)])
            return carry

        lax.fori_loop(0, n_chunks, body, 0)

    return gk(table, idx)


def _knn_body(q_ref, kt_ref, idx_ref, *, N, K, TS):
    q = q_ref[0]
    kt = kt_ref[0]
    qk = lax.dot_general(q, kt, (((1,), (0,)), ((), ())),
                         preferred_element_type=jnp.float32)
    q2 = jnp.sum(q * q, axis=1, keepdims=True)
    k2 = jnp.sum(kt * kt, axis=0, keepdims=True)
    dmat = q2 - 2.0 * qk + k2
    iota = lax.broadcasted_iota(jnp.int32, (TS, N), 1)
    iota_k = lax.broadcasted_iota(jnp.int32, (TS, K), 1)
    acc = jnp.zeros((TS, K), jnp.int32)
    for k in range(K):
        a = jnp.argmin(dmat, axis=1).astype(jnp.int32)[:, None]
        acc = jnp.where(iota_k == k, a, acc)
        dmat = jnp.where(iota == a, 1e30, dmat)
    idx_ref[0] = acc + pl.program_id(0) * N


def _run_knn(new_xyz, xyzt, B, N, S, K, TS=128):
    return pl.pallas_call(
        functools.partial(_knn_body, N=N, K=K, TS=TS),
        grid=(B, S // TS),
        in_specs=[
            pl.BlockSpec((1, TS, 3), lambda b, j: (b, j, 0)),
            pl.BlockSpec((1, 3, N), lambda b, j: (b, 0, 0)),
        ],
        out_specs=pl.BlockSpec((1, TS, K), lambda b, j: (b, j, 0)),
        out_shape=jax.ShapeDtypeStruct((B, S, K), jnp.int32),
    )(new_xyz, xyzt)


def _stat_body(g_ref, a_ref, s1_ref, s2_ref):
    g = g_ref[0]
    a = a_ref[0]
    d = g - a[:, None, :]
    s1_ref[0, 0, 0] = jnp.sum(d, axis=(0, 1))
    s2_ref[0, 0, 0] = jnp.sum(d * d, axis=(0, 1))


def _run_stats(grouped, anch, B, S, K, CIN, TSS=128):
    nj = S // TSS
    return pl.pallas_call(
        _stat_body,
        grid=(B, nj),
        in_specs=[
            pl.BlockSpec((1, TSS, K, CIN), lambda b, j: (b, j, 0, 0)),
            pl.BlockSpec((1, TSS, CIN), lambda b, j: (b, j, 0)),
        ],
        out_specs=[
            pl.BlockSpec((1, 1, 1, CIN), lambda b, j: (b, j, 0, 0)),
            pl.BlockSpec((1, 1, 1, CIN), lambda b, j: (b, j, 0, 0)),
        ],
        out_shape=[
            jax.ShapeDtypeStruct((B, nj, 1, CIN), jnp.float32),
            jax.ShapeDtypeStruct((B, nj, 1, CIN), jnp.float32),
        ],
    )(grouped, anch)


def _conv_body(g_ref, a_ref, s1_ref, s2_ref, al_ref, be_ref, wt_ref, cb_ref,
               y_ref, p1_ref, p2_ref, *, M1, K, CIN, COUT, TS3):
    g = g_ref[0]
    a = a_ref[0]
    s1 = jnp.sum(s1_ref[0])
    s2 = jnp.sum(s2_ref[0])
    var = (s2 - s1 * s1 / M1) / (M1 - 1)
    inv = 1.0 / (jnp.sqrt(var) + 1e-5)
    alpha = al_ref[...]
    beta = be_ref[...]
    xg = (g - a[:, None, :]) * inv * alpha[None] + beta[None]
    rep = jnp.broadcast_to(a[:, None, :], g.shape)
    xc = jnp.concatenate([xg, rep], axis=2).reshape(TS3 * K, 2 * CIN)
    y = lax.dot_general(xc, wt_ref[...], (((1,), (0,)), ((), ())),
                        preferred_element_type=jnp.float32) + cb_ref[...]
    y_ref[0] = y.reshape(TS3, K, COUT)
    p1_ref[0, 0, 0] = jnp.sum(y, axis=0)
    p2_ref[0, 0, 0] = jnp.sum(y * y, axis=0)


def _run_conv(grouped, anch, s1p, s2p, alpha, beta, wt, cb,
              B, S, K, CIN, COUT, TS3=64):
    nj = S // TS3
    nstat = s1p.shape[1]
    M1 = S * K * CIN
    return pl.pallas_call(
        functools.partial(_conv_body, M1=M1, K=K, CIN=CIN, COUT=COUT, TS3=TS3),
        grid=(B, nj),
        in_specs=[
            pl.BlockSpec((1, TS3, K, CIN), lambda b, j: (b, j, 0, 0)),
            pl.BlockSpec((1, TS3, CIN), lambda b, j: (b, j, 0)),
            pl.BlockSpec((1, nstat, CIN), lambda b, j: (b, 0, 0)),
            pl.BlockSpec((1, nstat, CIN), lambda b, j: (b, 0, 0)),
            pl.BlockSpec((1, CIN), lambda b, j: (0, 0)),
            pl.BlockSpec((1, CIN), lambda b, j: (0, 0)),
            pl.BlockSpec((2 * CIN, COUT), lambda b, j: (0, 0)),
            pl.BlockSpec((1, COUT), lambda b, j: (0, 0)),
        ],
        out_specs=[
            pl.BlockSpec((1, TS3, K, COUT), lambda b, j: (b, j, 0, 0)),
            pl.BlockSpec((1, 1, 1, COUT), lambda b, j: (b, j, 0, 0)),
            pl.BlockSpec((1, 1, 1, COUT), lambda b, j: (b, j, 0, 0)),
        ],
        out_shape=[
            jax.ShapeDtypeStruct((B, S, K, COUT), jnp.float32),
            jax.ShapeDtypeStruct((B, nj, 1, COUT), jnp.float32),
            jax.ShapeDtypeStruct((B, nj, 1, COUT), jnp.float32),
        ],
    )(grouped, anch, s1p, s2p, alpha, beta, wt, cb)


def _pool_body(y_ref, p1_ref, p2_ref, ga_ref, bb_ref, o_ref, *, Mg):
    tot1 = jnp.sum(p1_ref[...], axis=0, keepdims=True)
    tot2 = jnp.sum(p2_ref[...], axis=0, keepdims=True)
    mu = tot1 / Mg
    var = tot2 / Mg - mu * mu
    scale = ga_ref[...] * lax.rsqrt(var + 1e-5)
    shift = bb_ref[...] - mu * scale
    y = y_ref[0]
    z = jnp.maximum(y * scale[None] + shift[None], 0.0)
    o_ref[0] = jnp.max(z, axis=1)


def _run_pool(y, p1, p2, gamma, bnb, B, S, K, COUT, TS3=64):
    nj = S // TS3
    Mg = B * S * K
    p1f = p1.reshape(B * nj, COUT)
    p2f = p2.reshape(B * nj, COUT)
    return pl.pallas_call(
        functools.partial(_pool_body, Mg=Mg),
        grid=(B, nj),
        in_specs=[
            pl.BlockSpec((1, TS3, K, COUT), lambda b, j: (b, j, 0, 0)),
            pl.BlockSpec((B * nj, COUT), lambda b, j: (0, 0)),
            pl.BlockSpec((B * nj, COUT), lambda b, j: (0, 0)),
            pl.BlockSpec((1, COUT), lambda b, j: (0, 0)),
            pl.BlockSpec((1, COUT), lambda b, j: (0, 0)),
        ],
        out_specs=pl.BlockSpec((1, TS3, COUT), lambda b, j: (b, j, 0)),
        out_shape=jax.ShapeDtypeStruct((B, S, COUT), jnp.float32),
    )(y, p1f, p2f, gamma, bnb)


def kernel(xyz, points, feature_camera, affine_alpha, affine_beta,
           conv_w, conv_b, bn_gamma, bn_beta):
    B, N, _ = xyz.shape
    CIN = points.shape[2]
    COUT = conv_w.shape[0]
    S, K = 1024, 32

    xyzt = jnp.transpose(xyz, (0, 2, 1))
    pflat = points.reshape(B * N, CIN)
    xc16 = jnp.concatenate(
        [xyz, feature_camera, jnp.zeros((B, N, 122), jnp.float32)], axis=-1
    ).reshape(B * N, 128)

    fps_idx = _run_fps(xyzt, B, N, S).reshape(B * S)


    anch = _sc_gather(pflat, fps_idx)
    xcr = _sc_gather(xc16, fps_idx)
    new_xyz = xcr[:, 0:3].reshape(B, S, 3)
    new_camera = xcr[:, 3:6].reshape(B, S, 3)

    gidx = _run_knn(new_xyz, xyzt, B, N, S, K)
    grouped = _sc_gather(pflat, gidx.reshape(B * S * K)).reshape(B, S, K, CIN)

    anch3 = anch.reshape(B, S, CIN)
    s1p, s2p = _run_stats(grouped, anch3, B, S, K, CIN)
    s1p = s1p.reshape(B, -1, CIN)
    s2p = s2p.reshape(B, -1, CIN)

    alpha = affine_alpha.reshape(1, CIN)
    beta = affine_beta.reshape(1, CIN)
    wt = conv_w.T
    cb = conv_b.reshape(1, COUT)
    y, p1, p2 = _run_conv(grouped, anch3, s1p, s2p, alpha, beta, wt, cb,
                          B, S, K, CIN, COUT)

    out = _run_pool(y, p1, p2, bn_gamma.reshape(1, COUT),
                    bn_beta.reshape(1, COUT), B, S, K, COUT)
    return (new_xyz, out, new_camera)

# --- scband reference (transcript-rebuilt; emitter-appended) ---
"""Pipeline reference for scband-local-grouper-64407329570879 (READ-ONLY COPY).

The authoritative reference and input builder live on the scoring server;
editing this copy changes nothing except your own understanding.
"""

import jax, jax.numpy as jnp
import numpy as np

B, N, S, K = 8, 4096, 1024, 32
CIN, COUT = 128, 256


def _fps(xyz, npoint):
    Bb, Nn, _ = xyz.shape
    def body(i, state):
        idxs, dists, farthest = state
        idxs = idxs.at[:, i].set(farthest)
        centroid = xyz[jnp.arange(Bb), farthest][:, None, :]
        d = jnp.sum((xyz - centroid) ** 2, axis=-1)
        dists = jnp.minimum(dists, d)
        farthest = jnp.argmax(dists, axis=-1).astype(jnp.int32)
        return idxs, dists, farthest
    idxs = jnp.zeros((Bb, npoint), jnp.int32)
    dists = jnp.full((Bb, Nn), 1e10, jnp.float32)
    farthest = jnp.zeros((Bb,), jnp.int32)
    idxs, _, _ = jax.lax.fori_loop(0, npoint, body, (idxs, dists, farthest))
    return idxs


def _index_points(points, idx):
    Bb = points.shape[0]
    if idx.ndim == 2:
        return points[jnp.arange(Bb)[:, None], idx]
    return points[jnp.arange(Bb)[:, None, None], idx]


def setup_inputs(seed: int = 0):
    key = jax.random.key(seed)
    ks = jax.random.split(key, 6)
    xyz = jax.random.uniform(ks[0], (B, N, 3), dtype=jnp.float32)
    points = jax.random.normal(ks[1], (B, N, CIN), dtype=jnp.float32)
    feature_camera = jax.random.normal(ks[2], (B, N, 3), dtype=jnp.float32)
    affine_alpha = jnp.ones((1, 1, 1, CIN), jnp.float32)
    affine_beta = jnp.zeros((1, 1, 1, CIN), jnp.float32)
    conv_w = jax.random.normal(ks[3], (COUT, 2 * CIN), jnp.float32) * 0.02
    conv_b = jnp.zeros((COUT,), jnp.float32)
    bn_gamma = jnp.ones((COUT,), jnp.float32)
    bn_beta = jnp.zeros((COUT,), jnp.float32)
    return {"xyz": xyz, "points": points, "feature_camera": feature_camera,
            "affine_alpha": affine_alpha, "affine_beta": affine_beta,
            "conv_w": conv_w, "conv_b": conv_b,
            "bn_gamma": bn_gamma, "bn_beta": bn_beta}


def reference(xyz, points, feature_camera, affine_alpha, affine_beta, conv_w, conv_b, bn_gamma, bn_beta):
    fps_idx = _fps(xyz, S)
    new_xyz = _index_points(xyz, fps_idx)
    new_points_a = _index_points(points, fps_idx)
    new_camera = _index_points(feature_camera, fps_idx)
    # knn: squared distances [B, S, N], take k smallest
    sq = (-2.0 * jnp.einsum('bsc,bnc->bsn', new_xyz, xyz)
          + jnp.sum(new_xyz ** 2, -1)[:, :, None]
          + jnp.sum(xyz ** 2, -1)[:, None, :])
    _, idx = jax.lax.top_k(-sq, K)
    grouped_points = _index_points(points, idx)  # [B,S,K,CIN]
    # normalize == 'anchor', use_xyz False
    mean = new_points_a[:, :, None, :]
    diff = grouped_points - mean
    std = jnp.std(diff.reshape(B, -1), axis=-1, ddof=1)[:, None, None, None]
    grouped_points = diff / (std + 1e-5)
    grouped_points = affine_alpha * grouped_points + affine_beta
    rep = jnp.broadcast_to(new_points_a[:, :, None, :], (B, S, K, CIN))
    new_points = jnp.concatenate([grouped_points, rep], axis=-1)  # [B,S,K,2*CIN]
    x = new_points.transpose(0, 1, 3, 2).reshape(B * S, 2 * CIN, K)
    # Conv1d kernel_size=1
    y = jnp.einsum('bci,oc->boi', x, conv_w) + conv_b[None, :, None]
    # BatchNorm1d (training-mode batch stats, biased variance)
    mu = jnp.mean(y, axis=(0, 2), keepdims=True)
    var = jnp.var(y, axis=(0, 2), keepdims=True)
    y = (y - mu) / jnp.sqrt(var + 1e-5) * bn_gamma[None, :, None] + bn_beta[None, :, None]
    y = jnp.maximum(y, 0.0)
    out = jnp.max(y, axis=-1).reshape(B, S, COUT)
    return (new_xyz, out, new_camera)

if __name__ == "__main__":
    import jax
    _d = setup_inputs()
    print(jax.jit(kernel)(*tuple(_d.values())))

</pallas_src>

<mosaic_0001>
#map = affine_map<(d0, d1) -> (0, 0)>
#map1 = affine_map<(d0, d1) -> (0)>
module attributes {stable_mosaic.version = 14 : i64} {
  func.func @gk(%arg0: i32, %arg1: i32, %arg2: memref<32768x128xf32, #tpu.memory_space<hbm>>, %arg3: memref<262144xi32, #tpu.memory_space<hbm>>, %arg4: memref<262144x128xf32, #tpu.memory_space<hbm>>, %arg5: memref<128xi32, #tpu.memory_space<vmem>>, %arg6: memref<128x128xf32, #tpu.memory_space<vmem>>, %arg7: memref<!tpu.dma_semaphore, #tpu.memory_space<semaphore_mem>>) attributes {dimension_semantics = [#tpu.dimension_semantics<core_parallel>, #tpu.dimension_semantics<subcore_parallel>], iteration_bounds = array<i64: 2, 16>, scalar_prefetch = 0 : i64, scratch_operands = 3 : i64, tpu.core_type = #tpu.core_type<sc_vector_subcore>, window_params = [{transform_indices = #map}, {transform_indices = #map1}, {transform_indices = #map}]} {
    %mul3A = arith.constant 2 : i32
    %mul3A_0 = arith.muli %arg1, %mul3A : i32
    %add3A = arith.addi %mul3A_0, %arg0 : i32
    %mul3A_1 = arith.constant 8192 : i32
    %mul3A_2 = arith.muli %add3A, %mul3A_1 : i32
    %scan3A = arith.constant 0 : i32
    %scan3A_3 = arith.constant 0 : i32
    %scan3A_4 = arith.constant 64 : i32
    %scan3A_5 = arith.addi %scan3A_3, %scan3A_4 : i32
    %scan3A_6 = arith.constant 1 : i32
    scf.for %scan3A_8 = %scan3A_3 to %scan3A_5 step %scan3A_6  : i32 {
      %mul3A_9 = arith.constant 128 : i32
      %mul3A_10 = arith.muli %scan3A_8, %mul3A_9 : i32
      %add3A_11 = arith.addi %mul3A_2, %mul3A_10 : i32
      "tpu.region"() ({
        %run_scoped3A = tpu.sem_alloc : memref<!tpu.dma_semaphore, #tpu.memory_space<semaphore_mem>>
        %dma_start3A_16 = tpu.memref_slice %arg3[%add3A_11] : memref<262144xi32, #tpu.memory_space<hbm>> -> memref<128xi32, #tpu.memory_space<hbm>>
        %dma_start3A_17 = tpu.memref_slice %arg3[%add3A_11] : memref<262144xi32, #tpu.memory_space<hbm>> -> memref<128xi32, #tpu.memory_space<hbm>>
        tpu.enqueue_dma source(%dma_start3A_17 : memref<128xi32, #tpu.memory_space<hbm>>) target(%arg5 : memref<128xi32, #tpu.memory_space<vmem>>) target_semaphore(%run_scoped3A : memref<!tpu.dma_semaphore, #tpu.memory_space<semaphore_mem>>)
        %dma_wait3A_18 = tpu.memref_slice %arg3[%add3A_11] : memref<262144xi32, #tpu.memory_space<hbm>> -> memref<128xi32, #tpu.memory_space<hbm>>
        %dma_wait3A_19 = tpu.memref_slice %arg3[%add3A_11] : memref<262144xi32, #tpu.memory_space<hbm>> -> memref<128xi32, #tpu.memory_space<hbm>>
        tpu.wait_dma2 semaphore(%run_scoped3A : memref<!tpu.dma_semaphore, #tpu.memory_space<semaphore_mem>>) src(%dma_wait3A_19 : memref<128xi32, #tpu.memory_space<hbm>>) dst(%arg5 : memref<128xi32, #tpu.memory_space<vmem>>)
        tpu.yield
      }) : () -> ()
      %dma_start3A = arith.constant 0 : i32
      %dma_start3A_12 = arith.constant 0 : i32
      %dma_start3A_13 = tpu.memref_slice %arg2[%dma_start3A, %dma_start3A_12] : memref<32768x128xf32, #tpu.memory_space<hbm>> -> memref<32768x128xf32, #tpu.memory_space<hbm>>
      tpu.enqueue_indirect_dma source(%dma_start3A_13 : memref<32768x128xf32, #tpu.memory_space<hbm>>) target(%arg6 : memref<128x128xf32, #tpu.memory_space<vmem>>) offsets(%arg5 : memref<128xi32, #tpu.memory_space<vmem>>) semaphore(%arg7 : memref<!tpu.dma_semaphore, #tpu.memory_space<semaphore_mem>>)
      %dma_wait3A = arith.constant 0 : i32
      %dma_wait3A_14 = arith.constant 0 : i32
      %dma_wait3A_15 = tpu.memref_slice %arg2[%dma_wait3A, %dma_wait3A_14] : memref<32768x128xf32, #tpu.memory_space<hbm>> -> memref<32768x128xf32, #tpu.memory_space<hbm>>
      tpu.wait_indirect_dma semaphore(%arg7 : memref<!tpu.dma_semaphore, #tpu.memory_space<semaphore_mem>>) src(%dma_wait3A_15 : memref<32768x128xf32, #tpu.memory_space<hbm>>) dst(%arg6 : memref<128x128xf32, #tpu.memory_space<vmem>>)
      "tpu.region"() ({
        %run_scoped3A = tpu.sem_alloc : memref<!tpu.dma_semaphore, #tpu.memory_space<semaphore_mem>>
        %dma_start3A_16 = arith.constant 0 : i32
        %dma_start3A_17 = tpu.memref_slice %arg4[%add3A_11, %dma_start3A_16] : memref<262144x128xf32, #tpu.memory_space<hbm>> -> memref<128x128xf32, #tpu.memory_space<hbm>>
        %dma_start3A_18 = arith.constant 0 : i32
        %dma_start3A_19 = tpu.memref_slice %arg4[%add3A_11, %dma_start3A_18] : memref<262144x128xf32, #tpu.memory_space<hbm>> -> memref<128x128xf32, #tpu.memory_space<hbm>>
        tpu.enqueue_dma source(%arg6 : memref<128x128xf32, #tpu.memory_space<vmem>>) target(%dma_start3A_19 : memref<128x128xf32, #tpu.memory_space<hbm>>) target_semaphore(%run_scoped3A : memref<!tpu.dma_semaphore, #tpu.memory_space<semaphore_mem>>)
        %dma_wait3A_20 = arith.constant 0 : i32
        %dma_wait3A_21 = tpu.memref_slice %arg4[%add3A_11, %dma_wait3A_20] : memref<262144x128xf32, #tpu.memory_space<hbm>> -> memref<128x128xf32, #tpu.memory_space<hbm>>
        %dma_wait3A_22 = arith.constant 0 : i32
        %dma_wait3A_23 = tpu.memref_slice %arg4[%add3A_11, %dma_wait3A_22] : memref<262144x128xf32, #tpu.memory_space<hbm>> -> memref<128x128xf32, #tpu.memory_space<hbm>>
        tpu.wait_dma2 semaphore(%run_scoped3A : memref<!tpu.dma_semaphore, #tpu.memory_space<semaphore_mem>>) src(%arg6 : memref<128x128xf32, #tpu.memory_space<vmem>>) dst(%dma_wait3A_23 : memref<128x128xf32, #tpu.memory_space<hbm>>)
        tpu.yield
      }) : () -> ()
    }
    %scan3A_7 = arith.constant 64 : i32
    return
  }
}

#map = affine_map<(d0, d1) -> (0, 0)>
#map1 = affine_map<(d0, d1) -> (0)>
module attributes {stable_mosaic.version = 14 : i64} {
  func.func @gk(%arg0: i32, %arg1: i32, %arg2: memref<32768x128xf32, #tpu.memory_space<hbm>>, %arg3: memref<8192xi32, #tpu.memory_space<hbm>>, %arg4: memref<8192x128xf32, #tpu.memory_space<hbm>>, %arg5: memref<128xi32, #tpu.memory_space<vmem>>, %arg6: memref<128x128xf32, #tpu.memory_space<vmem>>, %arg7: memref<!tpu.dma_semaphore, #tpu.memory_space<semaphore_mem>>) attributes {dimension_semantics = [#tpu.dimension_semantics<core_parallel>, #tpu.dimension_semantics<subcore_parallel>], iteration_bounds = array<i64: 2, 16>, scalar_prefetch = 0 : i64, scratch_operands = 3 : i64, tpu.core_type = #tpu.core_type<sc_vector_subcore>, window_params = [{transform_indices = #map}, {transform_indices = #map1}, {transform_indices = #map}]} {
    %mul3A = arith.constant 2 : i32
    %mul3A_0 = arith.muli %arg1, %mul3A : i32
    %add3A = arith.addi %mul3A_0, %arg0 : i32
    %mul3A_1 = arith.constant 256 : i32
    %mul3A_2 = arith.muli %add3A, %mul3A_1 : i32
    %scan3A = arith.constant 0 : i32
    %scan3A_3 = arith.constant 0 : i32
    %scan3A_4 = arith.constant 2 : i32
    %scan3A_5 = arith.addi %scan3A_3, %scan3A_4 : i32
    %scan3A_6 = arith.constant 1 : i32
    scf.for %scan3A_8 = %scan3A_3 to %scan3A_5 step %scan3A_6  : i32 {
      %mul3A_9 = arith.constant 128 : i32
      %mul3A_10 = arith.muli %scan3A_8, %mul3A_9 : i32
      %add3A_11 = arith.addi %mul3A_2, %mul3A_10 : i32
      "tpu.region"() ({
        %run_scoped3A = tpu.sem_alloc : memref<!tpu.dma_semaphore, #tpu.memory_space<semaphore_mem>>
        %dma_start3A_16 = tpu.memref_slice %arg3[%add3A_11] : memref<8192xi32, #tpu.memory_space<hbm>> -> memref<128xi32, #tpu.memory_space<hbm>>
        %dma_start3A_17 = tpu.memref_slice %arg3[%add3A_11] : memref<8192xi32, #tpu.memory_space<hbm>> -> memref<128xi32, #tpu.memory_space<hbm>>
        tpu.enqueue_dma source(%dma_start3A_17 : memref<128xi32, #tpu.memory_space<hbm>>) target(%arg5 : memref<128xi32, #tpu.memory_space<vmem>>) target_semaphore(%run_scoped3A : memref<!tpu.dma_semaphore, #tpu.memory_space<semaphore_mem>>)
        %dma_wait3A_18 = tpu.memref_slice %arg3[%add3A_11] : memref<8192xi32, #tpu.memory_space<hbm>> -> memref<128xi32, #tpu.memory_space<hbm>>
        %dma_wait3A_19 = tpu.memref_slice %arg3[%add3A_11] : memref<8192xi32, #tpu.memory_space<hbm>> -> memref<128xi32, #tpu.memory_space<hbm>>
        tpu.wait_dma2 semaphore(%run_scoped3A : memref<!tpu.dma_semaphore, #tpu.memory_space<semaphore_mem>>) src(%dma_wait3A_19 : memref<128xi32, #tpu.memory_space<hbm>>) dst(%arg5 : memref<128xi32, #tpu.memory_space<vmem>>)
        tpu.yield
      }) : () -> ()
      %dma_start3A = arith.constant 0 : i32
      %dma_start3A_12 = arith.constant 0 : i32
      %dma_start3A_13 = tpu.memref_slice %arg2[%dma_start3A, %dma_start3A_12] : memref<32768x128xf32, #tpu.memory_space<hbm>> -> memref<32768x128xf32, #tpu.memory_space<hbm>>
      tpu.enqueue_indirect_dma source(%dma_start3A_13 : memref<32768x128xf32, #tpu.memory_space<hbm>>) target(%arg6 : memref<128x128xf32, #tpu.memory_space<vmem>>) offsets(%arg5 : memref<128xi32, #tpu.memory_space<vmem>>) semaphore(%arg7 : memref<!tpu.dma_semaphore, #tpu.memory_space<semaphore_mem>>)
      %dma_wait3A = arith.constant 0 : i32
      %dma_wait3A_14 = arith.constant 0 : i32
      %dma_wait3A_15 = tpu.memref_slice %arg2[%dma_wait3A, %dma_wait3A_14] : memref<32768x128xf32, #tpu.memory_space<hbm>> -> memref<32768x128xf32, #tpu.memory_space<hbm>>
      tpu.wait_indirect_dma semaphore(%arg7 : memref<!tpu.dma_semaphore, #tpu.memory_space<semaphore_mem>>) src(%dma_wait3A_15 : memref<32768x128xf32, #tpu.memory_space<hbm>>) dst(%arg6 : memref<128x128xf32, #tpu.memory_space<vmem>>)
      "tpu.region"() ({
        %run_scoped3A = tpu.sem_alloc : memref<!tpu.dma_semaphore, #tpu.memory_space<semaphore_mem>>
        %dma_start3A_16 = arith.constant 0 : i32
        %dma_start3A_17 = tpu.memref_slice %arg4[%add3A_11, %dma_start3A_16] : memref<8192x128xf32, #tpu.memory_space<hbm>> -> memref<128x128xf32, #tpu.memory_space<hbm>>
        %dma_start3A_18 = arith.constant 0 : i32
        %dma_start3A_19 = tpu.memref_slice %arg4[%add3A_11, %dma_start3A_18] : memref<8192x128xf32, #tpu.memory_space<hbm>> -> memref<128x128xf32, #tpu.memory_space<hbm>>
        tpu.enqueue_dma source(%arg6 : memref<128x128xf32, #tpu.memory_space<vmem>>) target(%dma_start3A_19 : memref<128x128xf32, #tpu.memory_space<hbm>>) target_semaphore(%run_scoped3A : memref<!tpu.dma_semaphore, #tpu.memory_space<semaphore_mem>>)
        %dma_wait3A_20 = arith.constant 0 : i32
        %dma_wait3A_21 = tpu.memref_slice %arg4[%add3A_11, %dma_wait3A_20] : memref<8192x128xf32, #tpu.memory_space<hbm>> -> memref<128x128xf32, #tpu.memory_space<hbm>>
        %dma_wait3A_22 = arith.constant 0 : i32
        %dma_wait3A_23 = tpu.memref_slice %arg4[%add3A_11, %dma_wait3A_22] : memref<8192x128xf32, #tpu.memory_space<hbm>> -> memref<128x128xf32, #tpu.memory_space<hbm>>
        tpu.wait_dma2 semaphore(%run_scoped3A : memref<!tpu.dma_semaphore, #tpu.memory_space<semaphore_mem>>) src(%arg6 : memref<128x128xf32, #tpu.memory_space<vmem>>) dst(%dma_wait3A_23 : memref<128x128xf32, #tpu.memory_space<hbm>>)
        tpu.yield
      }) : () -> ()
    }
    %scan3A_7 = arith.constant 2 : i32
    return
  }
}

#map = affine_map<(d0, d1) -> (0, 0)>
#map1 = affine_map<(d0, d1) -> (0)>
module attributes {stable_mosaic.version = 14 : i64} {
  func.func @gk(%arg0: i32, %arg1: i32, %arg2: memref<32768x128xf32, #tpu.memory_space<hbm>>, %arg3: memref<8192xi32, #tpu.memory_space<hbm>>, %arg4: memref<8192x128xf32, #tpu.memory_space<hbm>>, %arg5: memref<128xi32, #tpu.memory_space<vmem>>, %arg6: memref<128x128xf32, #tpu.memory_space<vmem>>, %arg7: memref<!tpu.dma_semaphore, #tpu.memory_space<semaphore_mem>>) attributes {dimension_semantics = [#tpu.dimension_semantics<core_parallel>, #tpu.dimension_semantics<subcore_parallel>], iteration_bounds = array<i64: 2, 16>, scalar_prefetch = 0 : i64, scratch_operands = 3 : i64, tpu.core_type = #tpu.core_type<sc_vector_subcore>, window_params = [{transform_indices = #map}, {transform_indices = #map1}, {transform_indices = #map}]} {
    %mul3A = arith.constant 2 : i32
    %mul3A_0 = arith.muli %arg1, %mul3A : i32
    %add3A = arith.addi %mul3A_0, %arg0 : i32
    %mul3A_1 = arith.constant 256 : i32
    %mul3A_2 = arith.muli %add3A, %mul3A_1 : i32
    %scan3A = arith.constant 0 : i32
    %scan3A_3 = arith.constant 0 : i32
    %scan3A_4 = arith.constant 2 : i32
    %scan3A_5 = arith.addi %scan3A_3, %scan3A_4 : i32
    %scan3A_6 = arith.constant 1 : i32
    scf.for %scan3A_8 = %scan3A_3 to %scan3A_5 step %scan3A_6  : i32 {
      %mul3A_9 = arith.constant 128 : i32
      %mul3A_10 = arith.muli %scan3A_8, %mul3A_9 : i32
      %add3A_11 = arith.addi %mul3A_2, %mul3A_10 : i32
      "tpu.region"() ({
        %run_scoped3A = tpu.sem_alloc : memref<!tpu.dma_semaphore, #tpu.memory_space<semaphore_mem>>
        %dma_start3A_16 = tpu.memref_slice %arg3[%add3A_11] : memref<8192xi32, #tpu.memory_space<hbm>> -> memref<128xi32, #tpu.memory_space<hbm>>
        %dma_start3A_17 = tpu.memref_slice %arg3[%add3A_11] : memref<8192xi32, #tpu.memory_space<hbm>> -> memref<128xi32, #tpu.memory_space<hbm>>
        tpu.enqueue_dma source(%dma_start3A_17 : memref<128xi32, #tpu.memory_space<hbm>>) target(%arg5 : memref<128xi32, #tpu.memory_space<vmem>>) target_semaphore(%run_scoped3A : memref<!tpu.dma_semaphore, #tpu.memory_space<semaphore_mem>>)
        %dma_wait3A_18 = tpu.memref_slice %arg3[%add3A_11] : memref<8192xi32, #tpu.memory_space<hbm>> -> memref<128xi32, #tpu.memory_space<hbm>>
        %dma_wait3A_19 = tpu.memref_slice %arg3[%add3A_11] : memref<8192xi32, #tpu.memory_space<hbm>> -> memref<128xi32, #tpu.memory_space<hbm>>
        tpu.wait_dma2 semaphore(%run_scoped3A : memref<!tpu.dma_semaphore, #tpu.memory_space<semaphore_mem>>) src(%dma_wait3A_19 : memref<128xi32, #tpu.memory_space<hbm>>) dst(%arg5 : memref<128xi32, #tpu.memory_space<vmem>>)
        tpu.yield
      }) : () -> ()
      %dma_start3A = arith.constant 0 : i32
      %dma_start3A_12 = arith.constant 0 : i32
      %dma_start3A_13 = tpu.memref_slice %arg2[%dma_start3A, %dma_start3A_12] : memref<32768x128xf32, #tpu.memory_space<hbm>> -> memref<32768x128xf32, #tpu.memory_space<hbm>>
      tpu.enqueue_indirect_dma source(%dma_start3A_13 : memref<32768x128xf32, #tpu.memory_space<hbm>>) target(%arg6 : memref<128x128xf32, #tpu.memory_space<vmem>>) offsets(%arg5 : memref<128xi32, #tpu.memory_space<vmem>>) semaphore(%arg7 : memref<!tpu.dma_semaphore, #tpu.memory_space<semaphore_mem>>)
      %dma_wait3A = arith.constant 0 : i32
      %dma_wait3A_14 = arith.constant 0 : i32
      %dma_wait3A_15 = tpu.memref_slice %arg2[%dma_wait3A, %dma_wait3A_14] : memref<32768x128xf32, #tpu.memory_space<hbm>> -> memref<32768x128xf32, #tpu.memory_space<hbm>>
      tpu.wait_indirect_dma semaphore(%arg7 : memref<!tpu.dma_semaphore, #tpu.memory_space<semaphore_mem>>) src(%dma_wait3A_15 : memref<32768x128xf32, #tpu.memory_space<hbm>>) dst(%arg6 : memref<128x128xf32, #tpu.memory_space<vmem>>)
      "tpu.region"() ({
        %run_scoped3A = tpu.sem_alloc : memref<!tpu.dma_semaphore, #tpu.memory_space<semaphore_mem>>
        %dma_start3A_16 = arith.constant 0 : i32
        %dma_start3A_17 = tpu.memref_slice %arg4[%add3A_11, %dma_start3A_16] : memref<8192x128xf32, #tpu.memory_space<hbm>> -> memref<128x128xf32, #tpu.memory_space<hbm>>
        %dma_start3A_18 = arith.constant 0 : i32
        %dma_start3A_19 = tpu.memref_slice %arg4[%add3A_11, %dma_start3A_18] : memref<8192x128xf32, #tpu.memory_space<hbm>> -> memref<128x128xf32, #tpu.memory_space<hbm>>
        tpu.enqueue_dma source(%arg6 : memref<128x128xf32, #tpu.memory_space<vmem>>) target(%dma_start3A_19 : memref<128x128xf32, #tpu.memory_space<hbm>>) target_semaphore(%run_scoped3A : memref<!tpu.dma_semaphore, #tpu.memory_space<semaphore_mem>>)
        %dma_wait3A_20 = arith.constant 0 : i32
        %dma_wait3A_21 = tpu.memref_slice %arg4[%add3A_11, %dma_wait3A_20] : memref<8192x128xf32, #tpu.memory_space<hbm>> -> memref<128x128xf32, #tpu.memory_space<hbm>>
        %dma_wait3A_22 = arith.constant 0 : i32
        %dma_wait3A_23 = tpu.memref_slice %arg4[%add3A_11, %dma_wait3A_22] : memref<8192x128xf32, #tpu.memory_space<hbm>> -> memref<128x128xf32, #tpu.memory_space<hbm>>
        tpu.wait_dma2 semaphore(%run_scoped3A : memref<!tpu.dma_semaphore, #tpu.memory_space<semaphore_mem>>) src(%arg6 : memref<128x128xf32, #tpu.memory_space<vmem>>) dst(%dma_wait3A_23 : memref<128x128xf32, #tpu.memory_space<hbm>>)
        tpu.yield
      }) : () -> ()
    }
    %scan3A_7 = arith.constant 2 : i32
    return
  }
}

module attributes {stable_mosaic.version = 14 : i64} {
  func.func @_fps_body(%arg0: memref<3x8x4096xf32, #tpu.memory_space<vmem>>, %arg1: memref<8x1024xi32, #tpu.memory_space<vmem>>) attributes {dimension_semantics = [], scalar_prefetch = 0 : i64, scratch_operands = 0 : i64, tpu.core_type = #tpu.core_type<tc>} {
    %get3A = arith.constant 0 : index
    %get3A_0 = arith.constant 0 : index
    %get3A_1 = arith.constant 0 : index
    %get3A_2 = vector.load %arg0[%get3A, %get3A_0, %get3A_1] : memref<3x8x4096xf32, #tpu.memory_space<vmem>>, vector<3x8x4096xf32>
    %iota3A = tpu.iota {dimensions = array<i32: 1>} : vector<8x4096xi32>
    %iota3A_3 = tpu.iota {dimensions = array<i32: 1>} : vector<8x1024xi32>
    %slice3A = vector.extract_strided_slice %get3A_2 {offsets = [0, 0, 0], sizes = [1, 8, 4096], strides = [1, 1, 1]} : vector<3x8x4096xf32> to vector<1x8x4096xf32>
    %squeeze3A = vector.shape_cast %slice3A : vector<1x8x4096xf32> to vector<8x4096xf32>
    %mul3A = arith.constant 0.000000e+00 : f32
    %mul3A_4 = vector.broadcast %mul3A : f32 to vector<8x4096xf32>
    %mul3A_5 = arith.mulf %squeeze3A, %mul3A_4 : vector<8x4096xf32>
    %add3A = arith.constant 1.000000e+10 : f32
    %add3A_6 = vector.broadcast %add3A : f32 to vector<8x4096xf32>
    %add3A_7 = arith.addf %mul3A_5, %add3A_6 : vector<8x4096xf32>
    %slice3A_8 = vector.extract_strided_slice %mul3A_5 {offsets = [0, 0], sizes = [8, 1024], strides = [1, 1]} : vector<8x4096xf32> to vector<8x1024xf32>
    %convert_element_type3A = arith.fptosi %slice3A_8 : vector<8x1024xf32> to vector<8x1024xi32>
    %slice3A_9 = vector.extract_strided_slice %convert_element_type3A {offsets = [0, 0], sizes = [8, 1], strides = [1, 1]} : vector<8x1024xi32> to vector<8x1xi32>
    %scan3A = arith.constant 0 : i32
    %scan3A_10 = arith.constant 1024 : i32
    %scan3A_11 = arith.addi %scan3A, %scan3A_10 : i32
    %scan3A_12 = arith.constant 1 : i32
    %scan3A_13:3 = scf.for %scan3A_22 = %scan3A to %scan3A_11 step %scan3A_12 iter_args(%scan3A_23 = %add3A_7, %scan3A_24 = %slice3A_9, %scan3A_25 = %convert_element_type3A) -> (vector<8x4096xf32>, vector<8x1xi32>, vector<8x1024xi32>)  : i32 {
      %eq3A = vector.broadcast %scan3A_22 : i32 to vector<8x1024xi32>
      %eq3A_26 = arith.cmpi eq, %iota3A_3, %eq3A : vector<8x1024xi32>
      %broadcast_in_dim3A = vector.shape_cast %scan3A_24 : vector<8x1xi32> to vector<8x1xi32>
      %broadcast_in_dim3A_27 = vector.broadcast %broadcast_in_dim3A : vector<8x1xi32> to vector<8x1024xi32>
      %select_n3A = arith.select %eq3A_26, %broadcast_in_dim3A_27, %scan3A_25 : vector<8x1024xi1>, vector<8x1024xi32>
      %eq3A_28 = vector.broadcast %scan3A_24 : vector<8x1xi32> to vector<8x4096xi32>
      %eq3A_29 = arith.cmpi eq, %iota3A, %eq3A_28 : vector<8x4096xi32>
      %broadcast_in_dim3A_30 = vector.shape_cast %eq3A_29 : vector<8x4096xi1> to vector<1x8x4096xi1>
      %jit3A = arith.constant 0.000000e+00 : f32
      %broadcast_in_dim3A_31 = vector.shape_cast %broadcast_in_dim3A_30 : vector<1x8x4096xi1> to vector<1x8x4096xi1>
      %broadcast_in_dim3A_32 = vector.broadcast %broadcast_in_dim3A_31 : vector<1x8x4096xi1> to vector<3x8x4096xi1>
      %broadcast_in_dim3A_33 = vector.broadcast %jit3A : f32 to vector<3x8x4096xf32>
      %select_n3A_34 = arith.select %broadcast_in_dim3A_32, %get3A_2, %broadcast_in_dim3A_33 : vector<3x8x4096xi1>, vector<3x8x4096xf32>
      %reduce_sum3A = arith.constant dense<0.000000e+00> : vector<3x8xf32>
      %reduce_sum3A_35 = vector.multi_reduction <add>, %select_n3A_34, %reduce_sum3A [2] : vector<3x8x4096xf32> to vector<3x8xf32>
      %broadcast_in_dim3A_36 = vector.shape_cast %reduce_sum3A_35 : vector<3x8xf32> to vector<3x8x1xf32>
      %sub3A = vector.broadcast %broadcast_in_dim3A_36 : vector<3x8x1xf32> to vector<3x8x4096xf32>
      %sub3A_37 = arith.subf %get3A_2, %sub3A : vector<3x8x4096xf32>
      %integer_pow3A = arith.mulf %sub3A_37, %sub3A_37 : vector<3x8x4096xf32>
      %reduce_sum3A_38 = arith.constant dense<0.000000e+00> : vector<8x4096xf32>
      %reduce_sum3A_39 = vector.multi_reduction <add>, %integer_pow3A, %reduce_sum3A_38 [0] : vector<3x8x4096xf32> to vector<8x4096xf32>
      %min3A = arith.minimumf %scan3A_23, %reduce_sum3A_39 : vector<8x4096xf32>
      %reduce_max3A = arith.constant dense<0xFF800000> : vector<8xf32>
      %reduce_max3A_40 = vector.multi_reduction <maximumf>, %min3A, %reduce_max3A [1] : vector<8x4096xf32> to vector<8xf32>
      %broadcast_in_dim3A_41 = vector.shape_cast %reduce_max3A_40 : vector<8xf32> to vector<8x1xf32>
      %eq3A_42 = vector.broadcast %broadcast_in_dim3A_41 : vector<8x1xf32> to vector<8x4096xf32>
      %eq3A_43 = arith.cmpf oeq, %min3A, %eq3A_42 : vector<8x4096xf32>
      %jit3A_44 = arith.constant 4096 : i32
      %broadcast_in_dim3A_45 = vector.broadcast %jit3A_44 : i32 to vector<8x4096xi32>
      %select_n3A_46 = arith.select %eq3A_43, %iota3A, %broadcast_in_dim3A_45 : vector<8x4096xi1>, vector<8x4096xi32>
      %reduce_min3A = arith.constant dense<2147483647> : vector<8xi32>
      %reduce_min3A_47 = vector.multi_reduction <minsi>, %select_n3A_46, %reduce_min3A [1] : vector<8x4096xi32> to vector<8xi32>
      %broadcast_in_dim3A_48 = vector.shape_cast %reduce_min3A_47 : vector<8xi32> to vector<8x1xi32>
      scf.yield %min3A, %broadcast_in_dim3A_48, %select_n3A : vector<8x4096xf32>, vector<8x1xi32>, vector<8x1024xi32>
    }
    %scan3A_14 = arith.constant 1024 : i32
    %iota3A_15 = tpu.iota {dimensions = array<i32: 0>} : vector<8x1024xi32>
    %mul3A_16 = arith.constant 4096 : i32
    %mul3A_17 = vector.broadcast %mul3A_16 : i32 to vector<8x1024xi32>
    %mul3A_18 = arith.muli %iota3A_15, %mul3A_17 : vector<8x1024xi32>
    %add3A_19 = arith.addi %scan3A_13#2, %mul3A_18 : vector<8x1024xi32>
    %swap3A = arith.constant 0 : index
    %swap3A_20 = arith.constant 0 : index
    %swap3A_21 = vector.load %arg1[%swap3A, %swap3A_20] : memref<8x1024xi32, #tpu.memory_space<vmem>>, vector<8x1024xi32>
    tpu.vector_store %arg1[%swap3A, %swap3A_20], %add3A_19 {strides = array<i32>} : memref<8x1024xi32, #tpu.memory_space<vmem>>, vector<8x1024xi32>,
    return
  }
}

module attributes {stable_mosaic.version = 14 : i64} {
  func.func @_knn_body(%arg0: i32, %arg1: i32, %arg2: memref<1x128x3xf32, #tpu.memory_space<vmem>>, %arg3: memref<1x3x4096xf32, #tpu.memory_space<vmem>>, %arg4: memref<1x128x32xi32, #tpu.memory_space<vmem>>) attributes {dimension_semantics = [#tpu.dimension_semantics<arbitrary>, #tpu.dimension_semantics<arbitrary>], iteration_bounds = array<i64: 8, 8>, scalar_prefetch = 0 : i64, scratch_operands = 0 : i64, tpu.core_type = #tpu.core_type<tc>, window_params = [{transform_indices = @transform_0, window_bounds = array<i64: 1, 128, 3>}, {transform_indices = @transform_1, window_bounds = array<i64: 1, 3, 4096>}, {transform_indices = @transform_2, window_bounds = array<i64: 1, 128, 32>}]} {
    %get3A = arith.constant 0 : index
    %get3A_0 = arith.constant 0 : index
    %get3A_1 = arith.constant 0 : index
    %get3A_2 = vector.load %arg2[%get3A, %get3A_0, %get3A_1] : memref<1x128x3xf32, #tpu.memory_space<vmem>>, vector<1x128x3xf32>
    %get3A_3 = vector.shape_cast %get3A_2 : vector<1x128x3xf32> to vector<128x3xf32>
    %get3A_4 = arith.constant 0 : index
    %get3A_5 = arith.constant 0 : index
    %get3A_6 = arith.constant 0 : index
    %get3A_7 = vector.load %arg3[%get3A_4, %get3A_5, %get3A_6] : memref<1x3x4096xf32, #tpu.memory_space<vmem>>, vector<1x3x4096xf32>
    %get3A_8 = vector.shape_cast %get3A_7 : vector<1x3x4096xf32> to vector<3x4096xf32>
    %dot_general3A = arith.constant dense<0.000000e+00> : vector<128x4096xf32>
    %dot_general3A_9 = tpu.matmul %get3A_3, %get3A_8, %dot_general3A {dimension_numbers = #tpu.dot_dimension_numbers<[1], [0], [0], [1], [0, 0, 1, 1], [], []>, transpose_lhs_hint = false} : vector<128x3xf32>, vector<3x4096xf32>, vector<128x4096xf32> -> vector<128x4096xf32>
    %mul3A = arith.mulf %get3A_3, %get3A_3 : vector<128x3xf32>
    %reduce_sum3A = arith.constant dense<0.000000e+00> : vector<128xf32>
    %reduce_sum3A_10 = vector.multi_reduction <add>, %mul3A, %reduce_sum3A [1] : vector<128x3xf32> to vector<128xf32>
    %broadcast_in_dim3A = vector.shape_cast %reduce_sum3A_10 : vector<128xf32> to vector<128x1xf32>
    %mul3A_11 = arith.mulf %get3A_8, %get3A_8 : vector<3x4096xf32>
    %reduce_sum3A_12 = arith.constant dense<0.000000e+00> : vector<4096xf32>
    %reduce_sum3A_13 = vector.multi_reduction <add>, %mul3A_11, %reduce_sum3A_12 [0] : vector<3x4096xf32> to vector<4096xf32>
    %broadcast_in_dim3A_14 = vector.shape_cast %reduce_sum3A_13 : vector<4096xf32> to vector<1x4096xf32>
    %mul3A_15 = arith.constant 2.000000e+00 : f32
    %mul3A_16 = vector.broadcast %mul3A_15 : f32 to vector<128x4096xf32>
    %mul3A_17 = arith.mulf %mul3A_16, %dot_general3A_9 : vector<128x4096xf32>
    %sub3A = vector.broadcast %broadcast_in_dim3A : vector<128x1xf32> to vector<128x4096xf32>
    %sub3A_18 = arith.subf %sub3A, %mul3A_17 : vector<128x4096xf32>
    %add3A = vector.broadcast %broadcast_in_dim3A_14 : vector<1x4096xf32> to vector<128x4096xf32>
    %add3A_19 = arith.addf %sub3A_18, %add3A : vector<128x4096xf32>
    %iota3A = tpu.iota {dimensions = array<i32: 1>} : vector<128x4096xi32>
    %iota3A_20 = tpu.iota {dimensions = array<i32: 1>} : vector<128x32xi32>
    %broadcast_in_dim3A_21 = arith.constant 0 : i32
    %broadcast_in_dim3A_22 = vector.broadcast %broadcast_in_dim3A_21 : i32 to vector<128x32xi32>
    %argmin3A = tpu.reduce_index %add3A_19 {axis = 1 : i32, kind = #tpu.reduction_kind<arg_min>} : vector<128x4096xf32> -> vector<128xi32>
    %broadcast_in_dim3A_23 = vector.shape_cast %argmin3A : vector<128xi32> to vector<128x1xi32>
    %eq3A = arith.constant 0 : i32
    %eq3A_24 = vector.broadcast %eq3A : i32 to vector<128x32xi32>
    %eq3A_25 = arith.cmpi eq, %iota3A_20, %eq3A_24 : vector<128x32xi32>
    %broadcast_in_dim3A_26 = vector.shape_cast %broadcast_in_dim3A_23 : vector<128x1xi32> to vector<128x1xi32>
    %broadcast_in_dim3A_27 = vector.broadcast %broadcast_in_dim3A_26 : vector<128x1xi32> to vector<128x32xi32>
    %select_n3A = arith.select %eq3A_25, %broadcast_in_dim3A_27, %broadcast_in_dim3A_22 : vector<128x32xi1>, vector<128x32xi32>
    %eq3A_28 = vector.broadcast %broadcast_in_dim3A_23 : vector<128x1xi32> to vector<128x4096xi32>
    %eq3A_29 = arith.cmpi eq, %iota3A, %eq3A_28 : vector<128x4096xi32>
    %jit3A = arith.constant 1.000000e+30 : f32
    %broadcast_in_dim3A_30 = vector.broadcast %jit3A : f32 to vector<128x4096xf32>
    %select_n3A_31 = arith.select %eq3A_29, %broadcast_in_dim3A_30, %add3A_19 : vector<128x4096xi1>, vector<128x4096xf32>
    %argmin3A_32 = tpu.reduce_index %select_n3A_31 {axis = 1 : i32, kind = #tpu.reduction_kind<arg_min>} : vector<128x4096xf32> -> vector<128xi32>
    %broadcast_in_dim3A_33 = vector.shape_cast %argmin3A_32 : vector<128xi32> to vector<128x1xi32>
    %eq3A_34 = arith.constant 1 : i32
    %eq3A_35 = vector.broadcast %eq3A_34 : i32 to vector<128x32xi32>
    %eq3A_36 = arith.cmpi eq, %iota3A_20, %eq3A_35 : vector<128x32xi32>
    %broadcast_in_dim3A_37 = vector.shape_cast %broadcast_in_dim3A_33 : vector<128x1xi32> to vector<128x1xi32>
    %broadcast_in_dim3A_38 = vector.broadcast %broadcast_in_dim3A_37 : vector<128x1xi32> to vector<128x32xi32>
    %select_n3A_39 = arith.select %eq3A_36, %broadcast_in_dim3A_38, %select_n3A : vector<128x32xi1>, vector<128x32xi32>
    %eq3A_40 = vector.broadcast %broadcast_in_dim3A_33 : vector<128x1xi32> to vector<128x4096xi32>
    %eq3A_41 = arith.cmpi eq, %iota3A, %eq3A_40 : vector<128x4096xi32>
    %jit3A_42 = arith.constant 1.000000e+30 : f32
    %broadcast_in_dim3A_43 = vector.broadcast %jit3A_42 : f32 to vector<128x4096xf32>
    %select_n3A_44 = arith.select %eq3A_41, %broadcast_in_dim3A_43, %select_n3A_31 : vector<128x4096xi1>, vector<128x4096xf32>
    %argmin3A_45 = tpu.reduce_index %select_n3A_44 {axis = 1 : i32, kind = #tpu.reduction_kind<arg_min>} : vector<128x4096xf32> -> vector<128xi32>
    %broadcast_in_dim3A_46 = vector.shape_cast %argmin3A_45 : vector<128xi32> to vector<128x1xi32>
    %eq3A_47 = arith.constant 2 : i32
    %eq3A_48 = vector.broadcast %eq3A_47 : i32 to vector<128x32xi32>
    %eq3A_49 = arith.cmpi eq, %iota3A_20, %eq3A_48 : vector<128x32xi32>
    %broadcast_in_dim3A_50 = vector.shape_cast %broadcast_in_dim3A_46 : vector<128x1xi32> to vector<128x1xi32>
    %broadcast_in_dim3A_51 = vector.broadcast %broadcast_in_dim3A_50 : vector<128x1xi32> to vector<128x32xi32>
    %select_n3A_52 = arith.select %eq3A_49, %broadcast_in_dim3A_51, %select_n3A_39 : vector<128x32xi1>, vector<128x32xi32>
    %eq3A_53 = vector.broadcast %broadcast_in_dim3A_46 : vector<128x1xi32> to vector<128x4096xi32>
    %eq3A_54 = arith.cmpi eq, %iota3A, %eq3A_53 : vector<128x4096xi32>
    %jit3A_55 = arith.constant 1.000000e+30 : f32
    %broadcast_in_dim3A_56 = vector.broadcast %jit3A_55 : f32 to vector<128x4096xf32>
    %select_n3A_57 = arith.select %eq3A_54, %broadcast_in_dim3A_56, %select_n3A_44 : vector<128x4096xi1>, vector<128x4096xf32>
    %argmin3A_58 = tpu.reduce_index %select_n3A_57 {axis = 1 : i32, kind = #tpu.reduction_kind<arg_min>} : vector<128x4096xf32> -> vector<128xi32>
    %broadcast_in_dim3A_59 = vector.shape_cast %argmin3A_58 : vector<128xi32> to vector<128x1xi32>
    %eq3A_60 = arith.constant 3 : i32
    %eq3A_61 = vector.broadcast %eq3A_60 : i32 to vector<128x32xi32>
    %eq3A_62 = arith.cmpi eq, %iota3A_20, %eq3A_61 : vector<128x32xi32>
    %broadcast_in_dim3A_63 = vector.shape_cast %broadcast_in_dim3A_59 : vector<128x1xi32> to vector<128x1xi32>
    %broadcast_in_dim3A_64 = vector.broadcast %broadcast_in_dim3A_63 : vector<128x1xi32> to vector<128x32xi32>
    %select_n3A_65 = arith.select %eq3A_62, %broadcast_in_dim3A_64, %select_n3A_52 : vector<128x32xi1>, vector<128x32xi32>
    %eq3A_66 = vector.broadcast %broadcast_in_dim3A_59 : vector<128x1xi32> to vector<128x4096xi32>
    %eq3A_67 = arith.cmpi eq, %iota3A, %eq3A_66 : vector<128x4096xi32>
    %jit3A_68 = arith.constant 1.000000e+30 : f32
    %broadcast_in_dim3A_69 = vector.broadcast %jit3A_68 : f32 to vector<128x4096xf32>
    %select_n3A_70 = arith.select %eq3A_67, %broadcast_in_dim3A_69, %select_n3A_57 : vector<128x4096xi1>, vector<128x4096xf32>
    %argmin3A_71 = tpu.reduce_index %select_n3A_70 {axis = 1 : i32, kind = #tpu.reduction_kind<arg_min>} : vector<128x4096xf32> -> vector<128xi32>
    %broadcast_in_dim3A_72 = vector.shape_cast %argmin3A_71 : vector<128xi32> to vector<128x1xi32>
    %eq3A_73 = arith.constant 4 : i32
    %eq3A_74 = vector.broadcast %eq3A_73 : i32 to vector<128x32xi32>
    %eq3A_75 = arith.cmpi eq, %iota3A_20, %eq3A_74 : vector<128x32xi32>
    %broadcast_in_dim3A_76 = vector.shape_cast %broadcast_in_dim3A_72 : vector<128x1xi32> to vector<128x1xi32>
    %broadcast_in_dim3A_77 = vector.broadcast %broadcast_in_dim3A_76 : vector<128x1xi32> to vector<128x32xi32>
    %select_n3A_78 = arith.select %eq3A_75, %broadcast_in_dim3A_77, %select_n3A_65 : vector<128x32xi1>, vector<128x32xi32>
    %eq3A_79 = vector.broadcast %broadcast_in_dim3A_72 : vector<128x1xi32> to vector<128x4096xi32>
    %eq3A_80 = arith.cmpi eq, %iota3A, %eq3A_79 : vector<128x4096xi32>
    %jit3A_81 = arith.constant 1.000000e+30 : f32
    %broadcast_in_dim3A_82 = vector.broadcast %jit3A_81 : f32 to vector<128x4096xf32>
    %select_n3A_83 = arith.select %eq3A_80, %broadcast_in_dim3A_82, %select_n3A_70 : vector<128x4096xi1>, vector<128x4096xf32>
    %argmin3A_84 = tpu.reduce_index %select_n3A_83 {axis = 1 : i32, kind = #tpu.reduction_kind<arg_min>} : vector<128x4096xf32> -> vector<128xi32>
    %broadcast_in_dim3A_85 = vector.shape_cast %argmin3A_84 : vector<128xi32> to vector<128x1xi32>
    %eq3A_86 = arith.constant 5 : i32
    %eq3A_87 = vector.broadcast %eq3A_86 : i32 to vector<128x32xi32>
    %eq3A_88 = arith.cmpi eq, %iota3A_20, %eq3A_87 : vector<128x32xi32>
    %broadcast_in_dim3A_89 = vector.shape_cast %broadcast_in_dim3A_85 : vector<128x1xi32> to vector<128x1xi32>
    %broadcast_in_dim3A_90 = vector.broadcast %broadcast_in_dim3A_89 : vector<128x1xi32> to vector<128x32xi32>
    %select_n3A_91 = arith.select %eq3A_88, %broadcast_in_dim3A_90, %select_n3A_78 : vector<128x32xi1>, vector<128x32xi32>
    %eq3A_92 = vector.broadcast %broadcast_in_dim3A_85 : vector<128x1xi32> to vector<128x4096xi32>
    %eq3A_93 = arith.cmpi eq, %iota3A, %eq3A_92 : vector<128x4096xi32>
    %jit3A_94 = arith.constant 1.000000e+30 : f32
    %broadcast_in_dim3A_95 = vector.broadcast %jit3A_94 : f32 to vector<128x4096xf32>
    %select_n3A_96 = arith.select %eq3A_93, %broadcast_in_dim3A_95, %select_n3A_83 : vector<128x4096xi1>, vector<128x4096xf32>
    %argmin3A_97 = tpu.reduce_index %select_n3A_96 {axis = 1 : i32, kind = #tpu.reduction_kind<arg_min>} : vector<128x4096xf32> -> vector<128xi32>
    %broadcast_in_dim3A_98 = vector.shape_cast %argmin3A_97 : vector<128xi32> to vector<128x1xi32>
    %eq3A_99 = arith.constant 6 : i32
    %eq3A_100 = vector.broadcast %eq3A_99 : i32 to vector<128x32xi32>
    %eq3A_101 = arith.cmpi eq, %iota3A_20, %eq3A_100 : vector<128x32xi32>
    %broadcast_in_dim3A_102 = vector.shape_cast %broadcast_in_dim3A_98 : vector<128x1xi32> to vector<128x1xi32>
    %broadcast_in_dim3A_103 = vector.broadcast %broadcast_in_dim3A_102 : vector<128x1xi32> to vector<128x32xi32>
    %select_n3A_104 = arith.select %eq3A_101, %broadcast_in_dim3A_103, %select_n3A_91 : vector<128x32xi1>, vector<128x32xi32>
    %eq3A_105 = vector.broadcast %broadcast_in_dim3A_98 : vector<128x1xi32> to vector<128x4096xi32>
    %eq3A_106 = arith.cmpi eq, %iota3A, %eq3A_105 : vector<128x4096xi32>
    %jit3A_107 = arith.constant 1.000000e+30 : f32
    %broadcast_in_dim3A_108 = vector.broadcast %jit3A_107 : f32 to vector<128x4096xf32>
    %select_n3A_109 = arith.select %eq3A_106, %broadcast_in_dim3A_108, %select_n3A_96 : vector<128x4096xi1>, vector<128x4096xf32>
    %argmin3A_110 = tpu.reduce_index %select_n3A_109 {axis = 1 : i32, kind = #tpu.reduction_kind<arg_min>} : vector<128x4096xf32> -> vector<128xi32>
    %broadcast_in_dim3A_111 = vector.shape_cast %argmin3A_110 : vector<128xi32> to vector<128x1xi32>
    %eq3A_112 = arith.constant 7 : i32
    %eq3A_113 = vector.broadcast %eq3A_112 : i32 to vector<128x32xi32>
    %eq3A_114 = arith.cmpi eq, %iota3A_20, %eq3A_113 : vector<128x32xi32>
    %broadcast_in_dim3A_115 = vector.shape_cast %broadcast_in_dim3A_111 : vector<128x1xi32> to vector<128x1xi32>
    %broadcast_in_dim3A_116 = vector.broadcast %broadcast_in_dim3A_115 : vector<128x1xi32> to vector<128x32xi32>
    %select_n3A_117 = arith.select %eq3A_114, %broadcast_in_dim3A_116, %select_n3A_104 : vector<128x32xi1>, vector<128x32xi32>
    %eq3A_118 = vector.broadcast %broadcast_in_dim3A_111 : vector<128x1xi32> to vector<128x4096xi32>
    %eq3A_119 = arith.cmpi eq, %iota3A, %eq3A_118 : vector<128x4096xi32>
    %jit3A_120 = arith.constant 1.000000e+30 : f32
    %broadcast_in_dim3A_121 = vector.broadcast %jit3A_120 : f32 to vector<128x4096xf32>
    %select_n3A_122 = arith.select %eq3A_119, %broadcast_in_dim3A_121, %select_n3A_109 : vector<128x4096xi1>, vector<128x4096xf32>
    %argmin3A_123 = tpu.reduce_index %select_n3A_122 {axis = 1 : i32, kind = #tpu.reduction_kind<arg_min>} : vector<128x4096xf32> -> vector<128xi32>
    %broadcast_in_dim3A_124 = vector.shape_cast %argmin3A_123 : vector<128xi32> to vector<128x1xi32>
    %eq3A_125 = arith.constant 8 : i32
    %eq3A_126 = vector.broadcast %eq3A_125 : i32 to vector<128x32xi32>
    %eq3A_127 = arith.cmpi eq, %iota3A_20, %eq3A_126 : vector<128x32xi32>
    %broadcast_in_dim3A_128 = vector.shape_cast %broadcast_in_dim3A_124 : vector<128x1xi32> to vector<128x1xi32>
    %broadcast_in_dim3A_129 = vector.broadcast %broadcast_in_dim3A_128 : vector<128x1xi32> to vector<128x32xi32>
    %select_n3A_130 = arith.select %eq3A_127, %broadcast_in_dim3A_129, %select_n3A_117 : vector<128x32xi1>, vector<128x32xi32>
    %eq3A_131 = vector.broadcast %broadcast_in_dim3A_124 : vector<128x1xi32> to vector<128x4096xi32>
    %eq3A_132 = arith.cmpi eq, %iota3A, %eq3A_131 : vector<128x4096xi32>
    %jit3A_133 = arith.constant 1.000000e+30 : f32
    %broadcast_in_dim3A_134 = vector.broadcast %jit3A_133 : f32 to vector<128x4096xf32>
    %select_n3A_135 = arith.select %eq3A_132, %broadcast_in_dim3A_134, %select_n3A_122 : vector<128x4096xi1>, vector<128x4096xf32>
    %argmin3A_136 = tpu.reduce_index %select_n3A_135 {axis = 1 : i32, kind = #tpu.reduction_kind<arg_min>} : vector<128x4096xf32> -> vector<128xi32>
    %broadcast_in_dim3A_137 = vector.shape_cast %argmin3A_136 : vector<128xi32> to vector<128x1xi32>
    %eq3A_138 = arith.constant 9 : i32
    %eq3A_139 = vector.broadcast %eq3A_138 : i32 to vector<128x32xi32>
    %eq3A_140 = arith.cmpi eq, %iota3A_20, %eq3A_139 : vector<128x32xi32>
    %broadcast_in_dim3A_141 = vector.shape_cast %broadcast_in_dim3A_137 : vector<128x1xi32> to vector<128x1xi32>
    %broadcast_in_dim3A_142 = vector.broadcast %broadcast_in_dim3A_141 : vector<128x1xi32> to vector<128x32xi32>
    %select_n3A_143 = arith.select %eq3A_140, %broadcast_in_dim3A_142, %select_n3A_130 : vector<128x32xi1>, vector<128x32xi32>
    %eq3A_144 = vector.broadcast %broadcast_in_dim3A_137 : vector<128x1xi32> to vector<128x4096xi32>
    %eq3A_145 = arith.cmpi eq, %iota3A, %eq3A_144 : vector<128x4096xi32>
    %jit3A_146 = arith.constant 1.000000e+30 : f32
    %broadcast_in_dim3A_147 = vector.broadcast %jit3A_146 : f32 to vector<128x4096xf32>
    %select_n3A_148 = arith.select %eq3A_145, %broadcast_in_dim3A_147, %select_n3A_135 : vector<128x4096xi1>, vector<128x4096xf32>
    %argmin3A_149 = tpu.reduce_index %select_n3A_148 {axis = 1 : i32, kind = #tpu.reduction_kind<arg_min>} : vector<128x4096xf32> -> vector<128xi32>
    %broadcast_in_dim3A_150 = vector.shape_cast %argmin3A_149 : vector<128xi32> to vector<128x1xi32>
    %eq3A_151 = arith.constant 10 : i32
    %eq3A_152 = vector.broadcast %eq3A_151 : i32 to vector<128x32xi32>
    %eq3A_153 = arith.cmpi eq, %iota3A_20, %eq3A_152 : vector<128x32xi32>
    %broadcast_in_dim3A_154 = vector.shape_cast %broadcast_in_dim3A_150 : vector<128x1xi32> to vector<128x1xi32>
    %broadcast_in_dim3A_155 = vector.broadcast %broadcast_in_dim3A_154 : vector<128x1xi32> to vector<128x32xi32>
    %select_n3A_156 = arith.select %eq3A_153, %broadcast_in_dim3A_155, %select_n3A_143 : vector<128x32xi1>, vector<128x32xi32>
    %eq3A_157 = vector.broadcast %broadcast_in_dim3A_150 : vector<128x1xi32> to vector<128x4096xi32>
    %eq3A_158 = arith.cmpi eq, %iota3A, %eq3A_157 : vector<128x4096xi32>
    %jit3A_159 = arith.constant 1.000000e+30 : f32
    %broadcast_in_dim3A_160 = vector.broadcast %jit3A_159 : f32 to vector<128x4096xf32>
    %select_n3A_161 = arith.select %eq3A_158, %broadcast_in_dim3A_160, %select_n3A_148 : vector<128x4096xi1>, vector<128x4096xf32>
    %argmin3A_162 = tpu.reduce_index %select_n3A_161 {axis = 1 : i32, kind = #tpu.reduction_kind<arg_min>} : vector<128x4096xf32> -> vector<128xi32>
    %broadcast_in_dim3A_163 = vector.shape_cast %argmin3A_162 : vector<128xi32> to vector<128x1xi32>
    %eq3A_164 = arith.constant 11 : i32
    %eq3A_165 = vector.broadcast %eq3A_164 : i32 to vector<128x32xi32>
    %eq3A_166 = arith.cmpi eq, %iota3A_20, %eq3A_165 : vector<128x32xi32>
    %broadcast_in_dim3A_167 = vector.shape_cast %broadcast_in_dim3A_163 : vector<128x1xi32> to vector<128x1xi32>
    %broadcast_in_dim3A_168 = vector.broadcast %broadcast_in_dim3A_167 : vector<128x1xi32> to vector<128x32xi32>
    %select_n3A_169 = arith.select %eq3A_166, %broadcast_in_dim3A_168, %select_n3A_156 : vector<128x32xi1>, vector<128x32xi32>
    %eq3A_170 = vector.broadcast %broadcast_in_dim3A_163 : vector<128x1xi32> to vector<128x4096xi32>
    %eq3A_171 = arith.cmpi eq, %iota3A, %eq3A_170 : vector<128x4096xi32>
    %jit3A_172 = arith.constant 1.000000e+30 : f32
    %broadcast_in_dim3A_173 = vector.broadcast %jit3A_172 : f32 to vector<128x4096xf32>
    %select_n3A_174 = arith.select %eq3A_171, %broadcast_in_dim3A_173, %select_n3A_161 : vector<128x4096xi1>, vector<128x4096xf32>
    %argmin3A_175 = tpu.reduce_index %select_n3A_174 {axis = 1 : i32, kind = #tpu.reduction_kind<arg_min>} : vector<128x4096xf32> -> vector<128xi32>
    %broadcast_in_dim3A_176 = vector.shape_cast %argmin3A_175 : vector<128xi32> to vector<128x1xi32>
    %eq3A_177 = arith.constant 12 : i32
    %eq3A_178 = vector.broadcast %eq3A_177 : i32 to vector<128x32xi32>
    %eq3A_179 = arith.cmpi eq, %iota3A_20, %eq3A_178 : vector<128x32xi32>
    %broadcast_in_dim3A_180 = vector.shape_cast %broadcast_in_dim3A_176 : vector<128x1xi32> to vector<128x1xi32>
    %broadcast_in_dim3A_181 = vector.broadcast %broadcast_in_dim3A_180 : vector<128x1xi32> to vector<128x32xi32>
    %select_n3A_182 = arith.select %eq3A_179, %broadcast_in_dim3A_181, %select_n3A_169 : vector<128x32xi1>, vector<128x32xi32>
    %eq3A_183 = vector.broadcast %broadcast_in_dim3A_176 : vector<128x1xi32> to vector<128x4096xi32>
    %eq3A_184 = arith.cmpi eq, %iota3A, %eq3A_183 : vector<128x4096xi32>
    %jit3A_185 = arith.constant 1.000000e+30 : f32
    %broadcast_in_dim3A_186 = vector.broadcast %jit3A_185 : f32 to vector<128x4096xf32>
    %select_n3A_187 = arith.select %eq3A_184, %broadcast_in_dim3A_186, %select_n3A_174 : vector<128x4096xi1>, vector<128x4096xf32>
    %argmin3A_188 = tpu.reduce_index %select_n3A_187 {axis = 1 : i32, kind = #tpu.reduction_kind<arg_min>} : vector<128x4096xf32> -> vector<128xi32>
    %broadcast_in_dim3A_189 = vector.shape_cast %argmin3A_188 : vector<128xi32> to vector<128x1xi32>
    %eq3A_190 = arith.constant 13 : i32
    %eq3A_191 = vector.broadcast %eq3A_190 : i32 to vector<128x32xi32>
    %eq3A_192 = arith.cmpi eq, %iota3A_20, %eq3A_191 : vector<128x32xi32>
    %broadcast_in_dim3A_193 = vector.shape_cast %broadcast_in_dim3A_189 : vector<128x1xi32> to vector<128x1xi32>
    %broadcast_in_dim3A_194 = vector.broadcast %broadcast_in_dim3A_193 : vector<128x1xi32> to vector<128x32xi32>
    %select_n3A_195 = arith.select %eq3A_192, %broadcast_in_dim3A_194, %select_n3A_182 : vector<128x32xi1>, vector<128x32xi32>
    %eq3A_196 = vector.broadcast %broadcast_in_dim3A_189 : vector<128x1xi32> to vector<128x4096xi32>
    %eq3A_197 = arith.cmpi eq, %iota3A, %eq3A_196 : vector<128x4096xi32>
    %jit3A_198 = arith.constant 1.000000e+30 : f32
    %broadcast_in_dim3A_199 = vector.broadcast %jit3A_198 : f32 to vector<128x4096xf32>
    %select_n3A_200 = arith.select %eq3A_197, %broadcast_in_dim3A_199, %select_n3A_187 : vector<128x4096xi1>, vector<128x4096xf32>
    %argmin3A_201 = tpu.reduce_index %select_n3A_200 {axis = 1 : i32, kind = #tpu.reduction_kind<arg_min>} : vector<128x4096xf32> -> vector<128xi32>
    %broadcast_in_dim3A_202 = vector.shape_cast %argmin3A_201 : vector<128xi32> to vector<128x1xi32>
    %eq3A_203 = arith.constant 14 : i32
    %eq3A_204 = vector.broadcast %eq3A_203 : i32 to vector<128x32xi32>
    %eq3A_205 = arith.cmpi eq, %iota3A_20, %eq3A_204 : vector<128x32xi32>
    %broadcast_in_dim3A_206 = vector.shape_cast %broadcast_in_dim3A_202 : vector<128x1xi32> to vector<128x1xi32>
    %broadcast_in_dim3A_207 = vector.broadcast %broadcast_in_dim3A_206 : vector<128x1xi32> to vector<128x32xi32>
    %select_n3A_208 = arith.select %eq3A_205, %broadcast_in_dim3A_207, %select_n3A_195 : vector<128x32xi1>, vector<128x32xi32>
    %eq3A_209 = vector.broadcast %broadcast_in_dim3A_202 : vector<128x1xi32> to vector<128x4096xi32>
    %eq3A_210 = arith.cmpi eq, %iota3A, %eq3A_209 : vector<128x4096xi32>
    %jit3A_211 = arith.constant 1.000000e+30 : f32
    %broadcast_in_dim3A_212 = vector.broadcast %jit3A_211 : f32 to vector<128x4096xf32>
    %select_n3A_213 = arith.select %eq3A_210, %broadcast_in_dim3A_212, %select_n3A_200 : vector<128x4096xi1>, vector<128x4096xf32>
    %argmin3A_214 = tpu.reduce_index %select_n3A_213 {axis = 1 : i32, kind = #tpu.reduction_kind<arg_min>} : vector<128x4096xf32> -> vector<128xi32>
    %broadcast_in_dim3A_215 = vector.shape_cast %argmin3A_214 : vector<128xi32> to vector<128x1xi32>
    %eq3A_216 = arith.constant 15 : i32
    %eq3A_217 = vector.broadcast %eq3A_216 : i32 to vector<128x32xi32>
    %eq3A_218 = arith.cmpi eq, %iota3A_20, %eq3A_217 : vector<128x32xi32>
    %broadcast_in_dim3A_219 = vector.shape_cast %broadcast_in_dim3A_215 : vector<128x1xi32> to vector<128x1xi32>
    %broadcast_in_dim3A_220 = vector.broadcast %broadcast_in_dim3A_219 : vector<128x1xi32> to vector<128x32xi32>
    %select_n3A_221 = arith.select %eq3A_218, %broadcast_in_dim3A_220, %select_n3A_208 : vector<128x32xi1>, vector<128x32xi32>
    %eq3A_222 = vector.broadcast %broadcast_in_dim3A_215 : vector<128x1xi32> to vector<128x4096xi32>
    %eq3A_223 = arith.cmpi eq, %iota3A, %eq3A_222 : vector<128x4096xi32>
    %jit3A_224 = arith.constant 1.000000e+30 : f32
    %broadcast_in_dim3A_225 = vector.broadcast %jit3A_224 : f32 to vector<128x4096xf32>
    %select_n3A_226 = arith.select %eq3A_223, %broadcast_in_dim3A_225, %select_n3A_213 : vector<128x4096xi1>, vector<128x4096xf32>
    %argmin3A_227 = tpu.reduce_index %select_n3A_226 {axis = 1 : i32, kind = #tpu.reduction_kind<arg_min>} : vector<128x4096xf32> -> vector<128xi32>
    %broadcast_in_dim3A_228 = vector.shape_cast %argmin3A_227 : vector<128xi32> to vector<128x1xi32>
    %eq3A_229 = arith.constant 16 : i32
    %eq3A_230 = vector.broadcast %eq3A_229 : i32 to vector<128x32xi32>
    %eq3A_231 = arith.cmpi eq, %iota3A_20, %eq3A_230 : vector<128x32xi32>
    %broadcast_in_dim3A_232 = vector.shape_cast %broadcast_in_dim3A_228 : vector<128x1xi32> to vector<128x1xi32>
    %broadcast_in_dim3A_233 = vector.broadcast %broadcast_in_dim3A_232 : vector<128x1xi32> to vector<128x32xi32>
    %select_n3A_234 = arith.select %eq3A_231, %broadcast_in_dim3A_233, %select_n3A_221 : vector<128x32xi1>, vector<128x32xi32>
    %eq3A_235 = vector.broadcast %broadcast_in_dim3A_228 : vector<128x1xi32> to vector<128x4096xi32>
    %eq3A_236 = arith.cmpi eq, %iota3A, %eq3A_235 : vector<128x4096xi32>
    %jit3A_237 = arith.constant 1.000000e+30 : f32
    %broadcast_in_dim3A_238 = vector.broadcast %jit3A_237 : f32 to vector<128x4096xf32>
    %select_n3A_239 = arith.select %eq3A_236, %broadcast_in_dim3A_238, %select_n3A_226 : vector<128x4096xi1>, vector<128x4096xf32>
    %argmin3A_240 = tpu.reduce_index %select_n3A_239 {axis = 1 : i32, kind = #tpu.reduction_kind<arg_min>} : vector<128x4096xf32> -> vector<128xi32>
    %broadcast_in_dim3A_241 = vector.shape_cast %argmin3A_240 : vector<128xi32> to vector<128x1xi32>
    %eq3A_242 = arith.constant 17 : i32
    %eq3A_243 = vector.broadcast %eq3A_242 : i32 to vector<128x32xi32>
    %eq3A_244 = arith.cmpi eq, %iota3A_20, %eq3A_243 : vector<128x32xi32>
    %broadcast_in_dim3A_245 = vector.shape_cast %broadcast_in_dim3A_241 : vector<128x1xi32> to vector<128x1xi32>
    %broadcast_in_dim3A_246 = vector.broadcast %broadcast_in_dim3A_245 : vector<128x1xi32> to vector<128x32xi32>
    %select_n3A_247 = arith.select %eq3A_244, %broadcast_in_dim3A_246, %select_n3A_234 : vector<128x32xi1>, vector<128x32xi32>
    %eq3A_248 = vector.broadcast %broadcast_in_dim3A_241 : vector<128x1xi32> to vector<128x4096xi32>
    %eq3A_249 = arith.cmpi eq, %iota3A, %eq3A_248 : vector<128x4096xi32>
    %jit3A_250 = arith.constant 1.000000e+30 : f32
    %broadcast_in_dim3A_251 = vector.broadcast %jit3A_250 : f32 to vector<128x4096xf32>
    %select_n3A_252 = arith.select %eq3A_249, %broadcast_in_dim3A_251, %select_n3A_239 : vector<128x4096xi1>, vector<128x4096xf32>
    %argmin3A_253 = tpu.reduce_index %select_n3A_252 {axis = 1 : i32, kind = #tpu.reduction_kind<arg_min>} : vector<128x4096xf32> -> vector<128xi32>
    %broadcast_in_dim3A_254 = vector.shape_cast %argmin3A_253 : vector<128xi32> to vector<128x1xi32>
    %eq3A_255 = arith.constant 18 : i32
    %eq3A_256 = vector.broadcast %eq3A_255 : i32 to vector<128x32xi32>
    %eq3A_257 = arith.cmpi eq, %iota3A_20, %eq3A_256 : vector<128x32xi32>
    %broadcast_in_dim3A_258 = vector.shape_cast %broadcast_in_dim3A_254 : vector<128x1xi32> to vector<128x1xi32>
    %broadcast_in_dim3A_259 = vector.broadcast %broadcast_in_dim3A_258 : vector<128x1xi32> to vector<128x32xi32>
    %select_n3A_260 = arith.select %eq3A_257, %broadcast_in_dim3A_259, %select_n3A_247 : vector<128x32xi1>, vector<128x32xi32>
    %eq3A_261 = vector.broadcast %broadcast_in_dim3A_254 : vector<128x1xi32> to vector<128x4096xi32>
    %eq3A_262 = arith.cmpi eq, %iota3A, %eq3A_261 : vector<128x4096xi32>
    %jit3A_263 = arith.constant 1.000000e+30 : f32
    %broadcast_in_dim3A_264 = vector.broadcast %jit3A_263 : f32 to vector<128x4096xf32>
    %select_n3A_265 = arith.select %eq3A_262, %broadcast_in_dim3A_264, %select_n3A_252 : vector<128x4096xi1>, vector<128x4096xf32>
    %argmin3A_266 = tpu.reduce_index %select_n3A_265 {axis = 1 : i32, kind = #tpu.reduction_kind<arg_min>} : vector<128x4096xf32> -> vector<128xi32>
    %broadcast_in_dim3A_267 = vector.shape_cast %argmin3A_266 : vector<128xi32> to vector<128x1xi32>
    %eq3A_268 = arith.constant 19 : i32
    %eq3A_269 = vector.broadcast %eq3A_268 : i32 to vector<128x32xi32>
    %eq3A_270 = arith.cmpi eq, %iota3A_20, %eq3A_269 : vector<128x32xi32>
    %broadcast_in_dim3A_271 = vector.shape_cast %broadcast_in_dim3A_267 : vector<128x1xi32> to vector<128x1xi32>
    %broadcast_in_dim3A_272 = vector.broadcast %broadcast_in_dim3A_271 : vector<128x1xi32> to vector<128x32xi32>
    %select_n3A_273 = arith.select %eq3A_270, %broadcast_in_dim3A_272, %select_n3A_260 : vector<128x32xi1>, vector<128x32xi32>
    %eq3A_274 = vector.broadcast %broadcast_in_dim3A_267 : vector<128x1xi32> to vector<128x4096xi32>
    %eq3A_275 = arith.cmpi eq, %iota3A, %eq3A_274 : vector<128x4096xi32>
    %jit3A_276 = arith.constant 1.000000e+30 : f32
    %broadcast_in_dim3A_277 = vector.broadcast %jit3A_276 : f32 to vector<128x4096xf32>
    %select_n3A_278 = arith.select %eq3A_275, %broadcast_in_dim3A_277, %select_n3A_265 : vector<128x4096xi1>, vector<128x4096xf32>
    %argmin3A_279 = tpu.reduce_index %select_n3A_278 {axis = 1 : i32, kind = #tpu.reduction_kind<arg_min>} : vector<128x4096xf32> -> vector<128xi32>
    %broadcast_in_dim3A_280 = vector.shape_cast %argmin3A_279 : vector<128xi32> to vector<128x1xi32>
    %eq3A_281 = arith.constant 20 : i32
    %eq3A_282 = vector.broadcast %eq3A_281 : i32 to vector<128x32xi32>
    %eq3A_283 = arith.cmpi eq, %iota3A_20, %eq3A_282 : vector<128x32xi32>
    %broadcast_in_dim3A_284 = vector.shape_cast %broadcast_in_dim3A_280 : vector<128x1xi32> to vector<128x1xi32>
    %broadcast_in_dim3A_285 = vector.broadcast %broadcast_in_dim3A_284 : vector<128x1xi32> to vector<128x32xi32>
    %select_n3A_286 = arith.select %eq3A_283, %broadcast_in_dim3A_285, %select_n3A_273 : vector<128x32xi1>, vector<128x32xi32>
    %eq3A_287 = vector.broadcast %broadcast_in_dim3A_280 : vector<128x1xi32> to vector<128x4096xi32>
    %eq3A_288 = arith.cmpi eq, %iota3A, %eq3A_287 : vector<128x4096xi32>
    %jit3A_289 = arith.constant 1.000000e+30 : f32
    %broadcast_in_dim3A_290 = vector.broadcast %jit3A_289 : f32 to vector<128x4096xf32>
    %select_n3A_291 = arith.select %eq3A_288, %broadcast_in_dim3A_290, %select_n3A_278 : vector<128x4096xi1>, vector<128x4096xf32>
    %argmin3A_292 = tpu.reduce_index %select_n3A_291 {axis = 1 : i32, kind = #tpu.reduction_kind<arg_min>} : vector<128x4096xf32> -> vector<128xi32>
    %broadcast_in_dim3A_293 = vector.shape_cast %argmin3A_292 : vector<128xi32> to vector<128x1xi32>
    %eq3A_294 = arith.constant 21 : i32
    %eq3A_295 = vector.broadcast %eq3A_294 : i32 to vector<128x32xi32>
    %eq3A_296 = arith.cmpi eq, %iota3A_20, %eq3A_295 : vector<128x32xi32>
    %broadcast_in_dim3A_297 = vector.shape_cast %broadcast_in_dim3A_293 : vector<128x1xi32> to vector<128x1xi32>
    %broadcast_in_dim3A_298 = vector.broadcast %broadcast_in_dim3A_297 : vector<128x1xi32> to vector<128x32xi32>
    %select_n3A_299 = arith.select %eq3A_296, %broadcast_in_dim3A_298, %select_n3A_286 : vector<128x32xi1>, vector<128x32xi32>
    %eq3A_300 = vector.broadcast %broadcast_in_dim3A_293 : vector<128x1xi32> to vector<128x4096xi32>
    %eq3A_301 = arith.cmpi eq, %iota3A, %eq3A_300 : vector<128x4096xi32>
    %jit3A_302 = arith.constant 1.000000e+30 : f32
    %broadcast_in_dim3A_303 = vector.broadcast %jit3A_302 : f32 to vector<128x4096xf32>
    %select_n3A_304 = arith.select %eq3A_301, %broadcast_in_dim3A_303, %select_n3A_291 : vector<128x4096xi1>, vector<128x4096xf32>
    %argmin3A_305 = tpu.reduce_index %select_n3A_304 {axis = 1 : i32, kind = #tpu.reduction_kind<arg_min>} : vector<128x4096xf32> -> vector<128xi32>
    %broadcast_in_dim3A_306 = vector.shape_cast %argmin3A_305 : vector<128xi32> to vector<128x1xi32>
    %eq3A_307 = arith.constant 22 : i32
    %eq3A_308 = vector.broadcast %eq3A_307 : i32 to vector<128x32xi32>
    %eq3A_309 = arith.cmpi eq, %iota3A_20, %eq3A_308 : vector<128x32xi32>
    %broadcast_in_dim3A_310 = vector.shape_cast %broadcast_in_dim3A_306 : vector<128x1xi32> to vector<128x1xi32>
    %broadcast_in_dim3A_311 = vector.broadcast %broadcast_in_dim3A_310 : vector<128x1xi32> to vector<128x32xi32>
    %select_n3A_312 = arith.select %eq3A_309, %broadcast_in_dim3A_311, %select_n3A_299 : vector<128x32xi1>, vector<128x32xi32>
    %eq3A_313 = vector.broadcast %broadcast_in_dim3A_306 : vector<128x1xi32> to vector<128x4096xi32>
    %eq3A_314 = arith.cmpi eq, %iota3A, %eq3A_313 : vector<128x4096xi32>
    %jit3A_315 = arith.constant 1.000000e+30 : f32
    %broadcast_in_dim3A_316 = vector.broadcast %jit3A_315 : f32 to vector<128x4096xf32>
    %select_n3A_317 = arith.select %eq3A_314, %broadcast_in_dim3A_316, %select_n3A_304 : vector<128x4096xi1>, vector<128x4096xf32>
    %argmin3A_318 = tpu.reduce_index %select_n3A_317 {axis = 1 : i32, kind = #tpu.reduction_kind<arg_min>} : vector<128x4096xf32> -> vector<128xi32>
    %broadcast_in_dim3A_319 = vector.shape_cast %argmin3A_318 : vector<128xi32> to vector<128x1xi32>
    %eq3A_320 = arith.constant 23 : i32
    %eq3A_321 = vector.broadcast %eq3A_320 : i32 to vector<128x32xi32>
    %eq3A_322 = arith.cmpi eq, %iota3A_20, %eq3A_321 : vector<128x32xi32>
    %broadcast_in_dim3A_323 = vector.shape_cast %broadcast_in_dim3A_319 : vector<128x1xi32> to vector<128x1xi32>
    %broadcast_in_dim3A_324 = vector.broadcast %broadcast_in_dim3A_323 : vector<128x1xi32> to vector<128x32xi32>
    %select_n3A_325 = arith.select %eq3A_322, %broadcast_in_dim3A_324, %select_n3A_312 : vector<128x32xi1>, vector<128x32xi32>
    %eq3A_326 = vector.broadcast %broadcast_in_dim3A_319 : vector<128x1xi32> to vector<128x4096xi32>
    %eq3A_327 = arith.cmpi eq, %iota3A, %eq3A_326 : vector<128x4096xi32>
    %jit3A_328 = arith.constant 1.000000e+30 : f32
    %broadcast_in_dim3A_329 = vector.broadcast %jit3A_328 : f32 to vector<128x4096xf32>
    %select_n3A_330 = arith.select %eq3A_327, %broadcast_in_dim3A_329, %select_n3A_317 : vector<128x4096xi1>, vector<128x4096xf32>
    %argmin3A_331 = tpu.reduce_index %select_n3A_330 {axis = 1 : i32, kind = #tpu.reduction_kind<arg_min>} : vector<128x4096xf32> -> vector<128xi32>
    %broadcast_in_dim3A_332 = vector.shape_cast %argmin3A_331 : vector<128xi32> to vector<128x1xi32>
    %eq3A_333 = arith.constant 24 : i32
    %eq3A_334 = vector.broadcast %eq3A_333 : i32 to vector<128x32xi32>
    %eq3A_335 = arith.cmpi eq, %iota3A_20, %eq3A_334 : vector<128x32xi32>
    %broadcast_in_dim3A_336 = vector.shape_cast %broadcast_in_dim3A_332 : vector<128x1xi32> to vector<128x1xi32>
    %broadcast_in_dim3A_337 = vector.broadcast %broadcast_in_dim3A_336 : vector<128x1xi32> to vector<128x32xi32>
    %select_n3A_338 = arith.select %eq3A_335, %broadcast_in_dim3A_337, %select_n3A_325 : vector<128x32xi1>, vector<128x32xi32>
    %eq3A_339 = vector.broadcast %broadcast_in_dim3A_332 : vector<128x1xi32> to vector<128x4096xi32>
    %eq3A_340 = arith.cmpi eq, %iota3A, %eq3A_339 : vector<128x4096xi32>
    %jit3A_341 = arith.constant 1.000000e+30 : f32
    %broadcast_in_dim3A_342 = vector.broadcast %jit3A_341 : f32 to vector<128x4096xf32>
    %select_n3A_343 = arith.select %eq3A_340, %broadcast_in_dim3A_342, %select_n3A_330 : vector<128x4096xi1>, vector<128x4096xf32>
    %argmin3A_344 = tpu.reduce_index %select_n3A_343 {axis = 1 : i32, kind = #tpu.reduction_kind<arg_min>} : vector<128x4096xf32> -> vector<128xi32>
    %broadcast_in_dim3A_345 = vector.shape_cast %argmin3A_344 : vector<128xi32> to vector<128x1xi32>
    %eq3A_346 = arith.constant 25 : i32
    %eq3A_347 = vector.broadcast %eq3A_346 : i32 to vector<128x32xi32>
    %eq3A_348 = arith.cmpi eq, %iota3A_20, %eq3A_347 : vector<128x32xi32>
    %broadcast_in_dim3A_349 = vector.shape_cast %broadcast_in_dim3A_345 : vector<128x1xi32> to vector<128x1xi32>
    %broadcast_in_dim3A_350 = vector.broadcast %broadcast_in_dim3A_349 : vector<128x1xi32> to vector<128x32xi32>
    %select_n3A_351 = arith.select %eq3A_348, %broadcast_in_dim3A_350, %select_n3A_338 : vector<128x32xi1>, vector<128x32xi32>
    %eq3A_352 = vector.broadcast %broadcast_in_dim3A_345 : vector<128x1xi32> to vector<128x4096xi32>
    %eq3A_353 = arith.cmpi eq, %iota3A, %eq3A_352 : vector<128x4096xi32>
    %jit3A_354 = arith.constant 1.000000e+30 : f32
    %broadcast_in_dim3A_355 = vector.broadcast %jit3A_354 : f32 to vector<128x4096xf32>
    %select_n3A_356 = arith.select %eq3A_353, %broadcast_in_dim3A_355, %select_n3A_343 : vector<128x4096xi1>, vector<128x4096xf32>
    %argmin3A_357 = tpu.reduce_index %select_n3A_356 {axis = 1 : i32, kind = #tpu.reduction_kind<arg_min>} : vector<128x4096xf32> -> vector<128xi32>
    %broadcast_in_dim3A_358 = vector.shape_cast %argmin3A_357 : vector<128xi32> to vector<128x1xi32>
    %eq3A_359 = arith.constant 26 : i32
    %eq3A_360 = vector.broadcast %eq3A_359 : i32 to vector<128x32xi32>
    %eq3A_361 = arith.cmpi eq, %iota3A_20, %eq3A_360 : vector<128x32xi32>
    %broadcast_in_dim3A_362 = vector.shape_cast %broadcast_in_dim3A_358 : vector<128x1xi32> to vector<128x1xi32>
    %broadcast_in_dim3A_363 = vector.broadcast %broadcast_in_dim3A_362 : vector<128x1xi32> to vector<128x32xi32>
    %select_n3A_364 = arith.select %eq3A_361, %broadcast_in_dim3A_363, %select_n3A_351 : vector<128x32xi1>, vector<128x32xi32>
    %eq3A_365 = vector.broadcast %broadcast_in_dim3A_358 : vector<128x1xi32> to vector<128x4096xi32>
    %eq3A_366 = arith.cmpi eq, %iota3A, %eq3A_365 : vector<128x4096xi32>
    %jit3A_367 = arith.constant 1.000000e+30 : f32
    %broadcast_in_dim3A_368 = vector.broadcast %jit3A_367 : f32 to vector<128x4096xf32>
    %select_n3A_369 = arith.select %eq3A_366, %broadcast_in_dim3A_368, %select_n3A_356 : vector<128x4096xi1>, vector<128x4096xf32>
    %argmin3A_370 = tpu.reduce_index %select_n3A_369 {axis = 1 : i32, kind = #tpu.reduction_kind<arg_min>} : vector<128x4096xf32> -> vector<128xi32>
    %broadcast_in_dim3A_371 = vector.shape_cast %argmin3A_370 : vector<128xi32> to vector<128x1xi32>
    %eq3A_372 = arith.constant 27 : i32
    %eq3A_373 = vector.broadcast %eq3A_372 : i32 to vector<128x32xi32>
    %eq3A_374 = arith.cmpi eq, %iota3A_20, %eq3A_373 : vector<128x32xi32>
    %broadcast_in_dim3A_375 = vector.shape_cast %broadcast_in_dim3A_371 : vector<128x1xi32> to vector<128x1xi32>
    %broadcast_in_dim3A_376 = vector.broadcast %broadcast_in_dim3A_375 : vector<128x1xi32> to vector<128x32xi32>
    %select_n3A_377 = arith.select %eq3A_374, %broadcast_in_dim3A_376, %select_n3A_364 : vector<128x32xi1>, vector<128x32xi32>
    %eq3A_378 = vector.broadcast %broadcast_in_dim3A_371 : vector<128x1xi32> to vector<128x4096xi32>
    %eq3A_379 = arith.cmpi eq, %iota3A, %eq3A_378 : vector<128x4096xi32>
    %jit3A_380 = arith.constant 1.000000e+30 : f32
    %broadcast_in_dim3A_381 = vector.broadcast %jit3A_380 : f32 to vector<128x4096xf32>
    %select_n3A_382 = arith.select %eq3A_379, %broadcast_in_dim3A_381, %select_n3A_369 : vector<128x4096xi1>, vector<128x4096xf32>
    %argmin3A_383 = tpu.reduce_index %select_n3A_382 {axis = 1 : i32, kind = #tpu.reduction_kind<arg_min>} : vector<128x4096xf32> -> vector<128xi32>
    %broadcast_in_dim3A_384 = vector.shape_cast %argmin3A_383 : vector<128xi32> to vector<128x1xi32>
    %eq3A_385 = arith.constant 28 : i32
    %eq3A_386 = vector.broadcast %eq3A_385 : i32 to vector<128x32xi32>
    %eq3A_387 = arith.cmpi eq, %iota3A_20, %eq3A_386 : vector<128x32xi32>
    %broadcast_in_dim3A_388 = vector.shape_cast %broadcast_in_dim3A_384 : vector<128x1xi32> to vector<128x1xi32>
    %broadcast_in_dim3A_389 = vector.broadcast %broadcast_in_dim3A_388 : vector<128x1xi32> to vector<128x32xi32>
    %select_n3A_390 = arith.select %eq3A_387, %broadcast_in_dim3A_389, %select_n3A_377 : vector<128x32xi1>, vector<128x32xi32>
    %eq3A_391 = vector.broadcast %broadcast_in_dim3A_384 : vector<128x1xi32> to vector<128x4096xi32>
    %eq3A_392 = arith.cmpi eq, %iota3A, %eq3A_391 : vector<128x4096xi32>
    %jit3A_393 = arith.constant 1.000000e+30 : f32
    %broadcast_in_dim3A_394 = vector.broadcast %jit3A_393 : f32 to vector<128x4096xf32>
    %select_n3A_395 = arith.select %eq3A_392, %broadcast_in_dim3A_394, %select_n3A_382 : vector<128x4096xi1>, vector<128x4096xf32>
    %argmin3A_396 = tpu.reduce_index %select_n3A_395 {axis = 1 : i32, kind = #tpu.reduction_kind<arg_min>} : vector<128x4096xf32> -> vector<128xi32>
    %broadcast_in_dim3A_397 = vector.shape_cast %argmin3A_396 : vector<128xi32> to vector<128x1xi32>
    %eq3A_398 = arith.constant 29 : i32
    %eq3A_399 = vector.broadcast %eq3A_398 : i32 to vector<128x32xi32>
    %eq3A_400 = arith.cmpi eq, %iota3A_20, %eq3A_399 : vector<128x32xi32>
    %broadcast_in_dim3A_401 = vector.shape_cast %broadcast_in_dim3A_397 : vector<128x1xi32> to vector<128x1xi32>
    %broadcast_in_dim3A_402 = vector.broadcast %broadcast_in_dim3A_401 : vector<128x1xi32> to vector<128x32xi32>
    %select_n3A_403 = arith.select %eq3A_400, %broadcast_in_dim3A_402, %select_n3A_390 : vector<128x32xi1>, vector<128x32xi32>
    %eq3A_404 = vector.broadcast %broadcast_in_dim3A_397 : vector<128x1xi32> to vector<128x4096xi32>
    %eq3A_405 = arith.cmpi eq, %iota3A, %eq3A_404 : vector<128x4096xi32>
    %jit3A_406 = arith.constant 1.000000e+30 : f32
    %broadcast_in_dim3A_407 = vector.broadcast %jit3A_406 : f32 to vector<128x4096xf32>
    %select_n3A_408 = arith.select %eq3A_405, %broadcast_in_dim3A_407, %select_n3A_395 : vector<128x4096xi1>, vector<128x4096xf32>
    %argmin3A_409 = tpu.reduce_index %select_n3A_408 {axis = 1 : i32, kind = #tpu.reduction_kind<arg_min>} : vector<128x4096xf32> -> vector<128xi32>
    %broadcast_in_dim3A_410 = vector.shape_cast %argmin3A_409 : vector<128xi32> to vector<128x1xi32>
    %eq3A_411 = arith.constant 30 : i32
    %eq3A_412 = vector.broadcast %eq3A_411 : i32 to vector<128x32xi32>
    %eq3A_413 = arith.cmpi eq, %iota3A_20, %eq3A_412 : vector<128x32xi32>
    %broadcast_in_dim3A_414 = vector.shape_cast %broadcast_in_dim3A_410 : vector<128x1xi32> to vector<128x1xi32>
    %broadcast_in_dim3A_415 = vector.broadcast %broadcast_in_dim3A_414 : vector<128x1xi32> to vector<128x32xi32>
    %select_n3A_416 = arith.select %eq3A_413, %broadcast_in_dim3A_415, %select_n3A_403 : vector<128x32xi1>, vector<128x32xi32>
    %eq3A_417 = vector.broadcast %broadcast_in_dim3A_410 : vector<128x1xi32> to vector<128x4096xi32>
    %eq3A_418 = arith.cmpi eq, %iota3A, %eq3A_417 : vector<128x4096xi32>
    %jit3A_419 = arith.constant 1.000000e+30 : f32
    %broadcast_in_dim3A_420 = vector.broadcast %jit3A_419 : f32 to vector<128x4096xf32>
    %select_n3A_421 = arith.select %eq3A_418, %broadcast_in_dim3A_420, %select_n3A_408 : vector<128x4096xi1>, vector<128x4096xf32>
    %argmin3A_422 = tpu.reduce_index %select_n3A_421 {axis = 1 : i32, kind = #tpu.reduction_kind<arg_min>} : vector<128x4096xf32> -> vector<128xi32>
    %broadcast_in_dim3A_423 = vector.shape_cast %argmin3A_422 : vector<128xi32> to vector<128x1xi32>
    %eq3A_424 = arith.constant 31 : i32
    %eq3A_425 = vector.broadcast %eq3A_424 : i32 to vector<128x32xi32>
    %eq3A_426 = arith.cmpi eq, %iota3A_20, %eq3A_425 : vector<128x32xi32>
    %broadcast_in_dim3A_427 = vector.shape_cast %broadcast_in_dim3A_423 : vector<128x1xi32> to vector<128x1xi32>
    %broadcast_in_dim3A_428 = vector.broadcast %broadcast_in_dim3A_427 : vector<128x1xi32> to vector<128x32xi32>
    %select_n3A_429 = arith.select %eq3A_426, %broadcast_in_dim3A_428, %select_n3A_416 : vector<128x32xi1>, vector<128x32xi32>
    %mul3A_430 = arith.constant 4096 : i32
    %mul3A_431 = arith.muli %arg0, %mul3A_430 : i32
    %add3A_432 = vector.broadcast %mul3A_431 : i32 to vector<128x32xi32>
    %add3A_433 = arith.addi %select_n3A_429, %add3A_432 : vector<128x32xi32>
    %swap3A = arith.constant 0 : index
    %swap3A_434 = arith.constant 0 : index
    %swap3A_435 = arith.constant 0 : index
    %swap3A_436 = vector.load %arg4[%swap3A, %swap3A_434, %swap3A_435] : memref<1x128x32xi32, #tpu.memory_space<vmem>>, vector<1x128x32xi32>
    %swap3A_437 = vector.shape_cast %swap3A_436 : vector<1x128x32xi32> to vector<128x32xi32>
    %swap3A_438 = vector.shape_cast %add3A_433 : vector<128x32xi32> to vector<1x128x32xi32>
    tpu.vector_store %arg4[%swap3A, %swap3A_434, %swap3A_435], %swap3A_438 {strides = array<i32>} : memref<1x128x32xi32, #tpu.memory_space<vmem>>, vector<1x128x32xi32>,
    return
  }
  func.func @transform_0(%arg0: i32, %arg1: i32) -> (i32, i32, i32) {
    %c0_i32 = arith.constant 0 : i32
    %c0_i32_0 = arith.constant 0 : i32
    return %arg0, %arg1, %c0_i32 : i32, i32, i32
  }
  func.func @transform_1(%arg0: i32, %arg1: i32) -> (i32, i32, i32) {
    %c0_i32 = arith.constant 0 : i32
    %c0_i32_0 = arith.constant 0 : i32
    %c0_i32_1 = arith.constant 0 : i32
    return %arg0, %c0_i32, %c0_i32_0 : i32, i32, i32
  }
  func.func @transform_2(%arg0: i32, %arg1: i32) -> (i32, i32, i32) {
    %c0_i32 = arith.constant 0 : i32
    %c0_i32_0 = arith.constant 0 : i32
    return %arg0, %arg1, %c0_i32 : i32, i32, i32
  }
}

module attributes {stable_mosaic.version = 14 : i64} {
  func.func @_stat_body(%arg0: i32, %arg1: i32, %arg2: memref<1x128x32x128xf32, #tpu.memory_space<vmem>>, %arg3: memref<1x128x128xf32, #tpu.memory_space<vmem>>, %arg4: memref<1x1x1x128xf32, #tpu.memory_space<vmem>>, %arg5: memref<1x1x1x128xf32, #tpu.memory_space<vmem>>) attributes {dimension_semantics = [#tpu.dimension_semantics<arbitrary>, #tpu.dimension_semantics<arbitrary>], iteration_bounds = array<i64: 8, 8>, scalar_prefetch = 0 : i64, scratch_operands = 0 : i64, tpu.core_type = #tpu.core_type<tc>, window_params = [{transform_indices = @transform_0, window_bounds = array<i64: 1, 128, 32, 128>}, {transform_indices = @transform_1, window_bounds = array<i64: 1, 128, 128>}, {transform_indices = @transform_2, window_bounds = array<i64: 1, 1, 1, 128>}, {transform_indices = @transform_3, window_bounds = array<i64: 1, 1, 1, 128>}]} {
    %get3A = arith.constant 0 : index
    %get3A_0 = arith.constant 0 : index
    %get3A_1 = arith.constant 0 : index
    %get3A_2 = arith.constant 0 : index
    %get3A_3 = vector.load %arg2[%get3A, %get3A_0, %get3A_1, %get3A_2] : memref<1x128x32x128xf32, #tpu.memory_space<vmem>>, vector<1x128x32x128xf32>
    %get3A_4 = vector.shape_cast %get3A_3 : vector<1x128x32x128xf32> to vector<128x32x128xf32>
    %get3A_5 = arith.constant 0 : index
    %get3A_6 = arith.constant 0 : index
    %get3A_7 = arith.constant 0 : index
    %get3A_8 = vector.load %arg3[%get3A_5, %get3A_6, %get3A_7] : memref<1x128x128xf32, #tpu.memory_space<vmem>>, vector<1x128x128xf32>
    %get3A_9 = vector.shape_cast %get3A_8 : vector<1x128x128xf32> to vector<128x128xf32>
    %broadcast_in_dim3A = vector.shape_cast %get3A_9 : vector<128x128xf32> to vector<128x1x128xf32>
    %sub3A = vector.broadcast %broadcast_in_dim3A : vector<128x1x128xf32> to vector<128x32x128xf32>
    %sub3A_10 = arith.subf %get3A_4, %sub3A : vector<128x32x128xf32>
    %reduce_sum3A = arith.constant dense<0.000000e+00> : vector<128xf32>
    %reduce_sum3A_11 = vector.multi_reduction <add>, %sub3A_10, %reduce_sum3A [0, 1] : vector<128x32x128xf32> to vector<128xf32>
    %swap3A = arith.constant 0 : index
    %swap3A_12 = arith.constant 0 : index
    %swap3A_13 = arith.constant 0 : index
    %swap3A_14 = arith.constant 0 : index
    %swap3A_15 = vector.load %arg4[%swap3A, %swap3A_12, %swap3A_13, %swap3A_14] : memref<1x1x1x128xf32, #tpu.memory_space<vmem>>, vector<1x1x1x128xf32>
    %swap3A_16 = vector.shape_cast %swap3A_15 : vector<1x1x1x128xf32> to vector<128xf32>
    %swap3A_17 = vector.shape_cast %reduce_sum3A_11 : vector<128xf32> to vector<1x1x1x128xf32>
    tpu.vector_store %arg4[%swap3A, %swap3A_12, %swap3A_13, %swap3A_14], %swap3A_17 {strides = array<i32>} : memref<1x1x1x128xf32, #tpu.memory_space<vmem>>, vector<1x1x1x128xf32>,
    %mul3A = arith.mulf %sub3A_10, %sub3A_10 : vector<128x32x128xf32>
    %reduce_sum3A_18 = arith.constant dense<0.000000e+00> : vector<128xf32>
    %reduce_sum3A_19 = vector.multi_reduction <add>, %mul3A, %reduce_sum3A_18 [0, 1] : vector<128x32x128xf32> to vector<128xf32>
    %swap3A_20 = arith.constant 0 : index
    %swap3A_21 = arith.constant 0 : index
    %swap3A_22 = arith.constant 0 : index
    %swap3A_23 = arith.constant 0 : index
    %swap3A_24 = vector.load %arg5[%swap3A_20, %swap3A_21, %swap3A_22, %swap3A_23] : memref<1x1x1x128xf32, #tpu.memory_space<vmem>>, vector<1x1x1x128xf32>
    %swap3A_25 = vector.shape_cast %swap3A_24 : vector<1x1x1x128xf32> to vector<128xf32>
    %swap3A_26 = vector.shape_cast %reduce_sum3A_19 : vector<128xf32> to vector<1x1x1x128xf32>
    tpu.vector_store %arg5[%swap3A_20, %swap3A_21, %swap3A_22, %swap3A_23], %swap3A_26 {strides = array<i32>} : memref<1x1x1x128xf32, #tpu.memory_space<vmem>>, vector<1x1x1x128xf32>,
    return
  }
  func.func @transform_0(%arg0: i32, %arg1: i32) -> (i32, i32, i32, i32) {
    %c0_i32 = arith.constant 0 : i32
    %c0_i32_0 = arith.constant 0 : i32
    %c0_i32_1 = arith.constant 0 : i32
    return %arg0, %arg1, %c0_i32, %c0_i32_0 : i32, i32, i32, i32
  }
  func.func @transform_1(%arg0: i32, %arg1: i32) -> (i32, i32, i32) {
    %c0_i32 = arith.constant 0 : i32
    %c0_i32_0 = arith.constant 0 : i32
    return %arg0, %arg1, %c0_i32 : i32, i32, i32
  }
  func.func @transform_2(%arg0: i32, %arg1: i32) -> (i32, i32, i32, i32) {
    %c0_i32 = arith.constant 0 : i32
    %c0_i32_0 = arith.constant 0 : i32
    %c0_i32_1 = arith.constant 0 : i32
    return %arg0, %arg1, %c0_i32, %c0_i32_0 : i32, i32, i32, i32
  }
  func.func @transform_3(%arg0: i32, %arg1: i32) -> (i32, i32, i32, i32) {
    %c0_i32 = arith.constant 0 : i32
    %c0_i32_0 = arith.constant 0 : i32
    %c0_i32_1 = arith.constant 0 : i32
    return %arg0, %arg1, %c0_i32, %c0_i32_0 : i32, i32, i32, i32
  }
}

module attributes {stable_mosaic.version = 14 : i64} {
  func.func @_conv_body(%arg0: i32, %arg1: i32, %arg2: memref<1x64x32x128xf32, #tpu.memory_space<vmem>>, %arg3: memref<1x64x128xf32, #tpu.memory_space<vmem>>, %arg4: memref<1x8x128xf32, #tpu.memory_space<vmem>>, %arg5: memref<1x8x128xf32, #tpu.memory_space<vmem>>, %arg6: memref<1x128xf32, #tpu.memory_space<vmem>>, %arg7: memref<1x128xf32, #tpu.memory_space<vmem>>, %arg8: memref<256x256xf32, #tpu.memory_space<vmem>>, %arg9: memref<1x256xf32, #tpu.memory_space<vmem>>, %arg10: memref<1x64x32x256xf32, #tpu.memory_space<vmem>>, %arg11: memref<1x1x1x256xf32, #tpu.memory_space<vmem>>, %arg12: memref<1x1x1x256xf32, #tpu.memory_space<vmem>>) attributes {dimension_semantics = [#tpu.dimension_semantics<arbitrary>, #tpu.dimension_semantics<arbitrary>], iteration_bounds = array<i64: 8, 16>, scalar_prefetch = 0 : i64, scratch_operands = 0 : i64, tpu.core_type = #tpu.core_type<tc>, window_params = [{transform_indices = @transform_0, window_bounds = array<i64: 1, 64, 32, 128>}, {transform_indices = @transform_1, window_bounds = array<i64: 1, 64, 128>}, {transform_indices = @transform_2, window_bounds = array<i64: 1, 8, 128>}, {transform_indices = @transform_3, window_bounds = array<i64: 1, 8, 128>}, {pipeline_mode = #tpu.pipeline_mode<synchronous>, transform_indices = @transform_4, window_bounds = array<i64: 1, 128>}, {pipeline_mode = #tpu.pipeline_mode<synchronous>, transform_indices = @transform_5, window_bounds = array<i64: 1, 128>}, {pipeline_mode = #tpu.pipeline_mode<synchronous>, transform_indices = @transform_6, window_bounds = array<i64: 256, 256>}, {pipeline_mode = #tpu.pipeline_mode<synchronous>, transform_indices = @transform_7, window_bounds = array<i64: 1, 256>}, {transform_indices = @transform_8, window_bounds = array<i64: 1, 64, 32, 256>}, {transform_indices = @transform_9, window_bounds = array<i64: 1, 1, 1, 256>}, {transform_indices = @transform_10, window_bounds = array<i64: 1, 1, 1, 256>}]} {
    %get3A = arith.constant 0 : index
    %get3A_0 = arith.constant 0 : index
    %get3A_1 = arith.constant 0 : index
    %get3A_2 = arith.constant 0 : index
    %get3A_3 = vector.load %arg2[%get3A, %get3A_0, %get3A_1, %get3A_2] : memref<1x64x32x128xf32, #tpu.memory_space<vmem>>, vector<1x64x32x128xf32>
    %get3A_4 = vector.shape_cast %get3A_3 : vector<1x64x32x128xf32> to vector<64x32x128xf32>
    %get3A_5 = arith.constant 0 : index
    %get3A_6 = arith.constant 0 : index
    %get3A_7 = arith.constant 0 : index
    %get3A_8 = vector.load %arg3[%get3A_5, %get3A_6, %get3A_7] : memref<1x64x128xf32, #tpu.memory_space<vmem>>, vector<1x64x128xf32>
    %get3A_9 = vector.shape_cast %get3A_8 : vector<1x64x128xf32> to vector<64x128xf32>
    %get3A_10 = arith.constant 0 : index
    %get3A_11 = arith.constant 0 : index
    %get3A_12 = arith.constant 0 : index
    %get3A_13 = vector.load %arg4[%get3A_10, %get3A_11, %get3A_12] : memref<1x8x128xf32, #tpu.memory_space<vmem>>, vector<1x8x128xf32>
    %get3A_14 = vector.shape_cast %get3A_13 : vector<1x8x128xf32> to vector<8x128xf32>
    %reduce_sum3A = vector.shape_cast %get3A_14 : vector<8x128xf32> to vector<1x8x128xf32>
    %reduce_sum3A_15 = arith.constant dense<0.000000e+00> : vector<1xf32>
    %reduce_sum3A_16 = vector.multi_reduction <add>, %reduce_sum3A, %reduce_sum3A_15 [1, 2] : vector<1x8x128xf32> to vector<1xf32>
    %reduce_sum3A_17 = vector.shape_cast %reduce_sum3A_16 : vector<1xf32> to vector<1x1x1xf32>
    %reduce_sum3A_18 = vector.extract %reduce_sum3A_17[0, 0, 0] : f32 from vector<1x1x1xf32>
    %get3A_19 = arith.constant 0 : index
    %get3A_20 = arith.constant 0 : index
    %get3A_21 = arith.constant 0 : index
    %get3A_22 = vector.load %arg5[%get3A_19, %get3A_20, %get3A_21] : memref<1x8x128xf32, #tpu.memory_space<vmem>>, vector<1x8x128xf32>
    %get3A_23 = vector.shape_cast %get3A_22 : vector<1x8x128xf32> to vector<8x128xf32>
    %reduce_sum3A_24 = vector.shape_cast %get3A_23 : vector<8x128xf32> to vector<1x8x128xf32>
    %reduce_sum3A_25 = arith.constant dense<0.000000e+00> : vector<1xf32>
    %reduce_sum3A_26 = vector.multi_reduction <add>, %reduce_sum3A_24, %reduce_sum3A_25 [1, 2] : vector<1x8x128xf32> to vector<1xf32>
    %reduce_sum3A_27 = vector.shape_cast %reduce_sum3A_26 : vector<1xf32> to vector<1x1x1xf32>
    %reduce_sum3A_28 = vector.extract %reduce_sum3A_27[0, 0, 0] : f32 from vector<1x1x1xf32>
    %mul3A = arith.mulf %reduce_sum3A_18, %reduce_sum3A_18 : f32
    %div3A = arith.constant 0x4A800000 : f32
    %div3A_29 = arith.divf %mul3A, %div3A : f32
    %sub3A = arith.subf %reduce_sum3A_28, %div3A_29 : f32
    %div3A_30 = arith.constant 0x4A7FFFFC : f32
    %div3A_31 = arith.divf %sub3A, %div3A_30 : f32
    %sqrt3A = math.sqrt %div3A_31 : f32
    %add3A = arith.constant 9.99999974E-6 : f32
    %add3A_32 = arith.addf %sqrt3A, %add3A : f32
    %div3A_33 = arith.constant 1.000000e+00 : f32
    %div3A_34 = arith.divf %div3A_33, %add3A_32 : f32
    %get3A_35 = arith.constant 0 : index
    %get3A_36 = arith.constant 0 : index
    %get3A_37 = vector.load %arg6[%get3A_35, %get3A_36] : memref<1x128xf32, #tpu.memory_space<vmem>>, vector<1x128xf32>
    %get3A_38 = arith.constant 0 : index
    %get3A_39 = arith.constant 0 : index
    %get3A_40 = vector.load %arg7[%get3A_38, %get3A_39] : memref<1x128xf32, #tpu.memory_space<vmem>>, vector<1x128xf32>
    %broadcast_in_dim3A = vector.shape_cast %get3A_9 : vector<64x128xf32> to vector<64x1x128xf32>
    %sub3A_41 = vector.broadcast %broadcast_in_dim3A : vector<64x1x128xf32> to vector<64x32x128xf32>
    %sub3A_42 = arith.subf %get3A_4, %sub3A_41 : vector<64x32x128xf32>
    %mul3A_43 = vector.broadcast %div3A_34 : f32 to vector<64x32x128xf32>
    %mul3A_44 = arith.mulf %sub3A_42, %mul3A_43 : vector<64x32x128xf32>
    %broadcast_in_dim3A_45 = vector.shape_cast %get3A_37 : vector<1x128xf32> to vector<1x1x128xf32>
    %mul3A_46 = vector.broadcast %broadcast_in_dim3A_45 : vector<1x1x128xf32> to vector<64x32x128xf32>
    %mul3A_47 = arith.mulf %mul3A_44, %mul3A_46 : vector<64x32x128xf32>
    %broadcast_in_dim3A_48 = vector.shape_cast %get3A_40 : vector<1x128xf32> to vector<1x1x128xf32>
    %add3A_49 = vector.broadcast %broadcast_in_dim3A_48 : vector<1x1x128xf32> to vector<64x32x128xf32>
    %add3A_50 = arith.addf %mul3A_47, %add3A_49 : vector<64x32x128xf32>
    %broadcast_in_dim3A_51 = vector.shape_cast %get3A_9 : vector<64x128xf32> to vector<64x1x128xf32>
    %broadcast_in_dim3A_52 = vector.shape_cast %broadcast_in_dim3A_51 : vector<64x1x128xf32> to vector<64x1x128xf32>
    %broadcast_in_dim3A_53 = vector.broadcast %broadcast_in_dim3A_52 : vector<64x1x128xf32> to vector<64x32x128xf32>
    %concatenate3A = tpu.concatenate %add3A_50, %broadcast_in_dim3A_53 in 2 : vector<64x32x128xf32>, vector<64x32x128xf32> -> vector<64x32x256xf32>
    %reshape3A = vector.shape_cast %concatenate3A : vector<64x32x256xf32> to vector<2048x256xf32>
    %get3A_54 = arith.constant 0 : index
    %get3A_55 = arith.constant 0 : index
    %get3A_56 = vector.load %arg8[%get3A_54, %get3A_55] : memref<256x256xf32, #tpu.memory_space<vmem>>, vector<256x256xf32>
    %dot_general3A = arith.constant dense<0.000000e+00> : vector<2048x256xf32>
    %dot_general3A_57 = tpu.matmul %reshape3A, %get3A_56, %dot_general3A {dimension_numbers = #tpu.dot_dimension_numbers<[1], [0], [0], [1], [0, 0, 1, 1], [], []>, transpose_lhs_hint = false} : vector<2048x256xf32>, vector<256x256xf32>, vector<2048x256xf32> -> vector<2048x256xf32>
    %get3A_58 = arith.constant 0 : index
    %get3A_59 = arith.constant 0 : index
    %get3A_60 = vector.load %arg9[%get3A_58, %get3A_59] : memref<1x256xf32, #tpu.memory_space<vmem>>, vector<1x256xf32>
    %add3A_61 = vector.broadcast %get3A_60 : vector<1x256xf32> to vector<2048x256xf32>
    %add3A_62 = arith.addf %dot_general3A_57, %add3A_61 : vector<2048x256xf32>
    %reshape3A_63 = vector.shape_cast %add3A_62 : vector<2048x256xf32> to vector<64x32x256xf32>
    %swap3A = arith.constant 0 : index
    %swap3A_64 = arith.constant 0 : index
    %swap3A_65 = arith.constant 0 : index
    %swap3A_66 = arith.constant 0 : index
    %swap3A_67 = vector.load %arg10[%swap3A, %swap3A_64, %swap3A_65, %swap3A_66] : memref<1x64x32x256xf32, #tpu.memory_space<vmem>>, vector<1x64x32x256xf32>
    %swap3A_68 = vector.shape_cast %swap3A_67 : vector<1x64x32x256xf32> to vector<64x32x256xf32>
    %swap3A_69 = vector.shape_cast %reshape3A_63 : vector<64x32x256xf32> to vector<1x64x32x256xf32>
    tpu.vector_store %arg10[%swap3A, %swap3A_64, %swap3A_65, %swap3A_66], %swap3A_69 {strides = array<i32>} : memref<1x64x32x256xf32, #tpu.memory_space<vmem>>, vector<1x64x32x256xf32>,
    %reduce_sum3A_70 = arith.constant dense<0.000000e+00> : vector<256xf32>
    %reduce_sum3A_71 = vector.multi_reduction <add>, %add3A_62, %reduce_sum3A_70 [0] : vector<2048x256xf32> to vector<256xf32>
    %swap3A_72 = arith.constant 0 : index
    %swap3A_73 = arith.constant 0 : index
    %swap3A_74 = arith.constant 0 : index
    %swap3A_75 = arith.constant 0 : index
    %swap3A_76 = vector.load %arg11[%swap3A_72, %swap3A_73, %swap3A_74, %swap3A_75] : memref<1x1x1x256xf32, #tpu.memory_space<vmem>>, vector<1x1x1x256xf32>
    %swap3A_77 = vector.shape_cast %swap3A_76 : vector<1x1x1x256xf32> to vector<256xf32>
    %swap3A_78 = vector.shape_cast %reduce_sum3A_71 : vector<256xf32> to vector<1x1x1x256xf32>
    tpu.vector_store %arg11[%swap3A_72, %swap3A_73, %swap3A_74, %swap3A_75], %swap3A_78 {strides = array<i32>} : memref<1x1x1x256xf32, #tpu.memory_space<vmem>>, vector<1x1x1x256xf32>,
    %mul3A_79 = arith.mulf %add3A_62, %add3A_62 : vector<2048x256xf32>
    %reduce_sum3A_80 = arith.constant dense<0.000000e+00> : vector<256xf32>
    %reduce_sum3A_81 = vector.multi_reduction <add>, %mul3A_79, %reduce_sum3A_80 [0] : vector<2048x256xf32> to vector<256xf32>
    %swap3A_82 = arith.constant 0 : index
    %swap3A_83 = arith.constant 0 : index
    %swap3A_84 = arith.constant 0 : index
    %swap3A_85 = arith.constant 0 : index
    %swap3A_86 = vector.load %arg12[%swap3A_82, %swap3A_83, %swap3A_84, %swap3A_85] : memref<1x1x1x256xf32, #tpu.memory_space<vmem>>, vector<1x1x1x256xf32>
    %swap3A_87 = vector.shape_cast %swap3A_86 : vector<1x1x1x256xf32> to vector<256xf32>
    %swap3A_88 = vector.shape_cast %reduce_sum3A_81 : vector<256xf32> to vector<1x1x1x256xf32>
    tpu.vector_store %arg12[%swap3A_82, %swap3A_83, %swap3A_84, %swap3A_85], %swap3A_88 {strides = array<i32>} : memref<1x1x1x256xf32, #tpu.memory_space<vmem>>, vector<1x1x1x256xf32>,
    return
  }
  func.func @transform_0(%arg0: i32, %arg1: i32) -> (i32, i32, i32, i32) {
    %c0_i32 = arith.constant 0 : i32
    %c0_i32_0 = arith.constant 0 : i32
    %c0_i32_1 = arith.constant 0 : i32
    return %arg0, %arg1, %c0_i32, %c0_i32_0 : i32, i32, i32, i32
  }
  func.func @transform_1(%arg0: i32, %arg1: i32) -> (i32, i32, i32) {
    %c0_i32 = arith.constant 0 : i32
    %c0_i32_0 = arith.constant 0 : i32
    return %arg0, %arg1, %c0_i32 : i32, i32, i32
  }
  func.func @transform_2(%arg0: i32, %arg1: i32) -> (i32, i32, i32) {
    %c0_i32 = arith.constant 0 : i32
    %c0_i32_0 = arith.constant 0 : i32
    %c0_i32_1 = arith.constant 0 : i32
    return %arg0, %c0_i32, %c0_i32_0 : i32, i32, i32
  }
  func.func @transform_3(%arg0: i32, %arg1: i32) -> (i32, i32, i32) {
    %c0_i32 = arith.constant 0 : i32
    %c0_i32_0 = arith.constant 0 : i32
    %c0_i32_1 = arith.constant 0 : i32
    return %arg0, %c0_i32, %c0_i32_0 : i32, i32, i32
  }
  func.func @transform_4(%arg0: i32, %arg1: i32) -> (i32, i32) {
    %c0_i32 = arith.constant 0 : i32
    %c0_i32_0 = arith.constant 0 : i32
    %c0_i32_1 = arith.constant 0 : i32
    return %c0_i32, %c0_i32_0 : i32, i32
  }
  func.func @transform_5(%arg0: i32, %arg1: i32) -> (i32, i32) {
    %c0_i32 = arith.constant 0 : i32
    %c0_i32_0 = arith.constant 0 : i32
    %c0_i32_1 = arith.constant 0 : i32
    return %c0_i32, %c0_i32_0 : i32, i32
  }
  func.func @transform_6(%arg0: i32, %arg1: i32) -> (i32, i32) {
    %c0_i32 = arith.constant 0 : i32
    %c0_i32_0 = arith.constant 0 : i32
    %c0_i32_1 = arith.constant 0 : i32
    return %c0_i32, %c0_i32_0 : i32, i32
  }
  func.func @transform_7(%arg0: i32, %arg1: i32) -> (i32, i32) {
    %c0_i32 = arith.constant 0 : i32
    %c0_i32_0 = arith.constant 0 : i32
    %c0_i32_1 = arith.constant 0 : i32
    return %c0_i32, %c0_i32_0 : i32, i32
  }
  func.func @transform_8(%arg0: i32, %arg1: i32) -> (i32, i32, i32, i32) {
    %c0_i32 = arith.constant 0 : i32
    %c0_i32_0 = arith.constant 0 : i32
    %c0_i32_1 = arith.constant 0 : i32
    return %arg0, %arg1, %c0_i32, %c0_i32_0 : i32, i32, i32, i32
  }
  func.func @transform_9(%arg0: i32, %arg1: i32) -> (i32, i32, i32, i32) {
    %c0_i32 = arith.constant 0 : i32
    %c0_i32_0 = arith.constant 0 : i32
    %c0_i32_1 = arith.constant 0 : i32
    return %arg0, %arg1, %c0_i32, %c0_i32_0 : i32, i32, i32, i32
  }
  func.func @transform_10(%arg0: i32, %arg1: i32) -> (i32, i32, i32, i32) {
    %c0_i32 = arith.constant 0 : i32
    %c0_i32_0 = arith.constant 0 : i32
    %c0_i32_1 = arith.constant 0 : i32
    return %arg0, %arg1, %c0_i32, %c0_i32_0 : i32, i32, i32, i32
  }
}

module attributes {stable_mosaic.version = 14 : i64} {
  func.func @_pool_body(%arg0: i32, %arg1: i32, %arg2: memref<1x64x32x256xf32, #tpu.memory_space<vmem>>, %arg3: memref<128x256xf32, #tpu.memory_space<vmem>>, %arg4: memref<128x256xf32, #tpu.memory_space<vmem>>, %arg5: memref<1x256xf32, #tpu.memory_space<vmem>>, %arg6: memref<1x256xf32, #tpu.memory_space<vmem>>, %arg7: memref<1x64x256xf32, #tpu.memory_space<vmem>>) attributes {dimension_semantics = [#tpu.dimension_semantics<arbitrary>, #tpu.dimension_semantics<arbitrary>], iteration_bounds = array<i64: 8, 16>, scalar_prefetch = 0 : i64, scratch_operands = 0 : i64, tpu.core_type = #tpu.core_type<tc>, window_params = [{transform_indices = @transform_0, window_bounds = array<i64: 1, 64, 32, 256>}, {pipeline_mode = #tpu.pipeline_mode<synchronous>, transform_indices = @transform_1, window_bounds = array<i64: 128, 256>}, {pipeline_mode = #tpu.pipeline_mode<synchronous>, transform_indices = @transform_2, window_bounds = array<i64: 128, 256>}, {pipeline_mode = #tpu.pipeline_mode<synchronous>, transform_indices = @transform_3, window_bounds = array<i64: 1, 256>}, {pipeline_mode = #tpu.pipeline_mode<synchronous>, transform_indices = @transform_4, window_bounds = array<i64: 1, 256>}, {transform_indices = @transform_5, window_bounds = array<i64: 1, 64, 256>}]} {
    %get3A = arith.constant 0 : index
    %get3A_0 = arith.constant 0 : index
    %get3A_1 = vector.load %arg3[%get3A, %get3A_0] : memref<128x256xf32, #tpu.memory_space<vmem>>, vector<128x256xf32>
    %reduce_sum3A = arith.constant dense<0.000000e+00> : vector<256xf32>
    %reduce_sum3A_2 = vector.multi_reduction <add>, %get3A_1, %reduce_sum3A [0] : vector<128x256xf32> to vector<256xf32>
    %broadcast_in_dim3A = vector.shape_cast %reduce_sum3A_2 : vector<256xf32> to vector<1x256xf32>
    %get3A_3 = arith.constant 0 : index
    %get3A_4 = arith.constant 0 : index
    %get3A_5 = vector.load %arg4[%get3A_3, %get3A_4] : memref<128x256xf32, #tpu.memory_space<vmem>>, vector<128x256xf32>
    %reduce_sum3A_6 = arith.constant dense<0.000000e+00> : vector<256xf32>
    %reduce_sum3A_7 = vector.multi_reduction <add>, %get3A_5, %reduce_sum3A_6 [0] : vector<128x256xf32> to vector<256xf32>
    %broadcast_in_dim3A_8 = vector.shape_cast %reduce_sum3A_7 : vector<256xf32> to vector<1x256xf32>
    %div3A = arith.constant 2.621440e+05 : f32
    %div3A_9 = vector.broadcast %div3A : f32 to vector<1x256xf32>
    %div3A_10 = arith.divf %broadcast_in_dim3A, %div3A_9 : vector<1x256xf32>
    %div3A_11 = arith.constant 2.621440e+05 : f32
    %div3A_12 = vector.broadcast %div3A_11 : f32 to vector<1x256xf32>
    %div3A_13 = arith.divf %broadcast_in_dim3A_8, %div3A_12 : vector<1x256xf32>
    %mul3A = arith.mulf %div3A_10, %div3A_10 : vector<1x256xf32>
    %sub3A = arith.subf %div3A_13, %mul3A : vector<1x256xf32>
    %get3A_14 = arith.constant 0 : index
    %get3A_15 = arith.constant 0 : index
    %get3A_16 = vector.load %arg5[%get3A_14, %get3A_15] : memref<1x256xf32, #tpu.memory_space<vmem>>, vector<1x256xf32>
    %add3A = arith.constant 9.99999974E-6 : f32
    %add3A_17 = vector.broadcast %add3A : f32 to vector<1x256xf32>
    %add3A_18 = arith.addf %sub3A, %add3A_17 : vector<1x256xf32>
    %rsqrt3A = math.rsqrt %add3A_18 : vector<1x256xf32>
    %mul3A_19 = arith.mulf %get3A_16, %rsqrt3A : vector<1x256xf32>
    %get3A_20 = arith.constant 0 : index
    %get3A_21 = arith.constant 0 : index
    %get3A_22 = vector.load %arg6[%get3A_20, %get3A_21] : memref<1x256xf32, #tpu.memory_space<vmem>>, vector<1x256xf32>
    %mul3A_23 = arith.mulf %div3A_10, %mul3A_19 : vector<1x256xf32>
    %sub3A_24 = arith.subf %get3A_22, %mul3A_23 : vector<1x256xf32>
    %get3A_25 = arith.constant 0 : index
    %get3A_26 = arith.constant 0 : index
    %get3A_27 = arith.constant 0 : index
    %get3A_28 = arith.constant 0 : index
    %get3A_29 = vector.load %arg2[%get3A_25, %get3A_26, %get3A_27, %get3A_28] : memref<1x64x32x256xf32, #tpu.memory_space<vmem>>, vector<1x64x32x256xf32>
    %get3A_30 = vector.shape_cast %get3A_29 : vector<1x64x32x256xf32> to vector<64x32x256xf32>
    %broadcast_in_dim3A_31 = vector.shape_cast %mul3A_19 : vector<1x256xf32> to vector<1x1x256xf32>
    %mul3A_32 = vector.broadcast %broadcast_in_dim3A_31 : vector<1x1x256xf32> to vector<64x32x256xf32>
    %mul3A_33 = arith.mulf %get3A_30, %mul3A_32 : vector<64x32x256xf32>
    %broadcast_in_dim3A_34 = vector.shape_cast %sub3A_24 : vector<1x256xf32> to vector<1x1x256xf32>
    %add3A_35 = vector.broadcast %broadcast_in_dim3A_34 : vector<1x1x256xf32> to vector<64x32x256xf32>
    %add3A_36 = arith.addf %mul3A_33, %add3A_35 : vector<64x32x256xf32>
    %max3A = arith.constant 0.000000e+00 : f32
    %max3A_37 = vector.broadcast %max3A : f32 to vector<64x32x256xf32>
    %max3A_38 = arith.maximumf %add3A_36, %max3A_37 : vector<64x32x256xf32>
    %reduce_max3A = arith.constant dense<0xFF800000> : vector<64x256xf32>
    %reduce_max3A_39 = vector.multi_reduction <maximumf>, %max3A_38, %reduce_max3A [1] : vector<64x32x256xf32> to vector<64x256xf32>
    %swap3A = arith.constant 0 : index
    %swap3A_40 = arith.constant 0 : index
    %swap3A_41 = arith.constant 0 : index
    %swap3A_42 = vector.load %arg7[%swap3A, %swap3A_40, %swap3A_41] : memref<1x64x256xf32, #tpu.memory_space<vmem>>, vector<1x64x256xf32>
    %swap3A_43 = vector.shape_cast %swap3A_42 : vector<1x64x256xf32> to vector<64x256xf32>
    %swap3A_44 = vector.shape_cast %reduce_max3A_39 : vector<64x256xf32> to vector<1x64x256xf32>
    tpu.vector_store %arg7[%swap3A, %swap3A_40, %swap3A_41], %swap3A_44 {strides = array<i32>} : memref<1x64x256xf32, #tpu.memory_space<vmem>>, vector<1x64x256xf32>,
    return
  }
  func.func @transform_0(%arg0: i32, %arg1: i32) -> (i32, i32, i32, i32) {
    %c0_i32 = arith.constant 0 : i32
    %c0_i32_0 = arith.constant 0 : i32
    %c0_i32_1 = arith.constant 0 : i32
    return %arg0, %arg1, %c0_i32, %c0_i32_0 : i32, i32, i32, i32
  }
  func.func @transform_1(%arg0: i32, %arg1: i32) -> (i32, i32) {
    %c0_i32 = arith.constant 0 : i32
    %c0_i32_0 = arith.constant 0 : i32
    %c0_i32_1 = arith.constant 0 : i32
    return %c0_i32, %c0_i32_0 : i32, i32
  }
  func.func @transform_2(%arg0: i32, %arg1: i32) -> (i32, i32) {
    %c0_i32 = arith.constant 0 : i32
    %c0_i32_0 = arith.constant 0 : i32
    %c0_i32_1 = arith.constant 0 : i32
    return %c0_i32, %c0_i32_0 : i32, i32
  }
  func.func @transform_3(%arg0: i32, %arg1: i32) -> (i32, i32) {
    %c0_i32 = arith.constant 0 : i32
    %c0_i32_0 = arith.constant 0 : i32
    %c0_i32_1 = arith.constant 0 : i32
    return %c0_i32, %c0_i32_0 : i32, i32
  }
  func.func @transform_4(%arg0: i32, %arg1: i32) -> (i32, i32) {
    %c0_i32 = arith.constant 0 : i32
    %c0_i32_0 = arith.constant 0 : i32
    %c0_i32_1 = arith.constant 0 : i32
    return %c0_i32, %c0_i32_0 : i32, i32
  }
  func.func @transform_5(%arg0: i32, %arg1: i32) -> (i32, i32, i32) {
    %c0_i32 = arith.constant 0 : i32
    %c0_i32_0 = arith.constant 0 : i32
    return %arg0, %arg1, %c0_i32 : i32, i32, i32
  }
}

</mosaic_0001>

<sc_bundles>
// kernel: kernel.10.cloned.1.call-start
scs
__scs_entry_jumppad:
0x0: {  	(pc) =	sbr.rel $0x88, $3  }
0x1: {  	(tag) =	ssettag $0x0;
	lr =	simm.s32 $0x1  }
0x2: {  	[smem:$0x3F98] =	sst lr;
	_ =	strace $0xD0000000  }
0x3: {  	_ = 	snop  }
0x4: {  	_ = 	snop  }
0x5: {  	_ = 	snop  }
0x6: {  	_ = 	snop  }
0x7: {  	_ = 	snop  }
__scs_overlays_trampoline_lowered:
0x8: {  	[smem:$0x3FA7] =	sst s0  }
0x9: {  	[smem:$0x3FA8] =	sst s1  }
0xa: {  	[smem:$0x3FA9] =	sst s2  }
0xb: {  	[smem:$0x3FAA] =	sst s3  }
0xc: {  	[smem:$0x3FAB] =	sst s4  }
0xd: {  	[smem:$0x3FAC] =	sst s5  }
0xe: {  	[smem:$0x3FAD] =	sst s6  }
0xf: {  	[smem:$0x3FAE] =	sst s7  }
0x10: {  	[smem:$0x3FAF] =	sst s8  }
0x11: {  	[smem:$0x3FB0] =	sst s9;
	s0 =	simm.s32 @!p0 $0x0  }
0x12: {  	s1 =	sld [smem:$0x3F96];
	s0 =	simm.s32 @p0 $0x1  }
0x13: {  	[smem:$0x3FB1] =	sst s0;
	s0 =	simm.s32 @!p1 $0x0  }
0x14: {  	s2 =	sld [smem:$0x3F95];
	s0 =	simm.s32 @p1 $0x1  }
0x15: {  	[smem:$0x3FB2] =	sst s0;
	s0 =	simm.s32 @!p2 $0x0  }
0x16: {  	s3 =	sld [smem:$0x3FDB];
	s0 =	simm.s32 @p2 $0x1  }
0x17: {  	s4 =	simm.s32 $0x1BF5;
	[smem:$0x3FB4] =	sst s0  }
0x18: {  	s0 =	sld [smem:$0x3F97];
	_ =	swait.ge [sflag:s4], $0x0  }
0x19: {  	s7 =	sld [smem:$0x3F98]  }
0x1a: {  	s8 =	sadd.s32 $0xFFFFE003, lr  }
0x1b: {  	s9 =	sadd.s32 $0xFFFFFEF7, lr;
	s5 =	simm.s32 $0xFFFFFFFF;
	p2 =	slt.u32 s8, $0xFFFFF086  }
0x1c: {  	p1 =	slt.u32 s9, $0xF7A;
	s5 =	simm.s32 @!p2 $0x0  }
0x1d: {  	s5 =	simm.s32 @p1 $0x1;
	p0 =	seq.s32 s7, s2  }
0x1e: {  	s7 =	smul.u32 @!p0 $0xF7A, s2;
	p2 =	seq.s32 @!p0 s5, $0x0  }
0x1f: {  	s9 =	smul.u32 $0xF7A, s1;
	s8 =	simm.s32 @!p0 $0x1BF5;
	p2 =	por !p2, p0  }
0x20: {  	[sflag:s8] =	ssyncset.s32 @!p0 $0xFFFFF086;
	s6 =	sadd.s32 @!p0 s3, s7;
	s7 =	simm.s32 @!p0 $0x108  }
0x21: {  	s3 =	sadd.s32 s3, s9;
	s6 =	sadd.s32 @!p0 $0x88, s6;
	s7 =	simm.s32 @p2 $0x1082  }
0x22: {  	[simem:s7], [sflag:s8] =	dma.local @!p0 [hbm:s6], $0xF7A  }
0x23: {  	s9 =	sor.u32 $0xD0000000, s2;
	s6 =	simm.s32 $0x108;
	_ =	swait.ge @!p0 [sflag:s8], $0x0  }
0x24: {  	s3 =	sadd.s32 $0x88, s3;
	s6 =	simm.s32 @!p1 $0x1082;
	[sflag:s4] =	ssyncset.s32 $0xFFFFF086  }
0x25: {  	[simem:s6], [sflag:s4] =	dma.local [hbm:s3], $0xF7A  }
0x26: {  	[smem:$0x3F98] =	sst s1;
	(tag) =	ssettag s2;
	_ =	strace s9  }
0x27: {  	s1 =	sld [smem:$0x3FA8]  }
0x28: {  	s2 =	sld [smem:$0x3FA9]  }
0x29: {  	s4 =	sld [smem:$0x3FAB]  }
0x2a: {  	p0 =	seq.s32 s5, $0x0;
	s5 =	sld [smem:$0x3FAC]  }
0x2b: {  	s6 =	sld [smem:$0x3FAD]  }
0x2c: {  	s7 =	sld [smem:$0x3FAE]  }
0x2d: {  	s3 =	simm.s32 $0x108;
	s8 =	sld [smem:$0x3FAF]  }
0x2e: {  	s3 =	simm.s32 @!p0 $0x1082;
	s9 =	sld [smem:$0x3FB0]  }
0x2f: {  	lr =	sadd.s32 s0, s3;
	s0 =	sld [smem:$0x3FA7]  }
0x30: {  	s3 =	sld [smem:$0x3FAA]  }
0x31: {  	[smem:$0x3FB3] =	sst s10  }
0x32: {  	s10 =	sld [smem:$0x3FB1];
	_ =	sdelay $0x3  }
0x33: {  	p0 =	seq.s32 s10, $0x1;
	s10 =	sld [smem:$0x3FB3];
	_ =	sdelay $0x3  }
0x34: {  	[smem:$0x3FB3] =	sst s10  }
0x35: {  	s10 =	sld [smem:$0x3FB2];
	_ =	sdelay $0x3  }
0x36: {  	p1 =	seq.s32 s10, $0x1;
	s10 =	sld [smem:$0x3FB3];
	_ =	sdelay $0x3  }
0x37: {  	[smem:$0x3FB3] =	sst s10  }
0x38: {  	s10 =	sld [smem:$0x3FB4]  }
0x39: {  	_ = 	snop;
	(pc) =	sbr.ind lr, $3  }
0x3a: {  	_ = 	snop  }
0x3b: {  	_ = 	snop  }
0x3c: {  	p2 =	seq.s32 s10, $0x1;
	s10 =	sld [smem:$0x3FB3]  }
0x3d: {  	_ =	shalt  }
0x3e: {  	_ =	shalt  }
0x3f: {  	_ =	shalt  }
0x40: {  	_ =	shalt  }
0x41: {  	_ =	shalt  }
0x42: {  	_ =	shalt  }
0x43: {  	_ =	shalt  }
0x44: {  	_ =	shalt  }
0x45: {  	_ =	shalt  }
0x46: {  	_ =	shalt  }
0x47: {  	_ =	shalt  }
0x48: {  	_ =	shalt  }
0x49: {  	_ =	shalt  }
0x4a: {  	_ =	shalt  }
0x4b: {  	_ =	shalt  }
0x4c: {  	_ =	shalt  }
0x4d: {  	_ =	shalt  }
0x4e: {  	_ =	shalt  }
0x4f: {  	_ =	shalt  }
0x50: {  	_ =	shalt  }
0x51: {  	_ =	shalt  }
0x52: {  	_ =	shalt  }
0x53: {  	_ =	shalt  }
0x54: {  	_ =	shalt  }
0x55: {  	_ =	shalt  }
0x56: {  	_ =	shalt  }
0x57: {  	_ =	shalt  }
0x58: {  	_ =	shalt  }
0x59: {  	_ =	shalt  }
0x5a: {  	_ =	shalt  }
0x5b: {  	_ =	shalt  }
0x5c: {  	_ =	shalt  }
0x5d: {  	_ =	shalt  }
0x5e: {  	_ =	shalt  }
0x5f: {  	_ =	shalt  }
0x60: {  	_ =	shalt  }
0x61: {  	_ =	shalt  }
0x62: {  	_ =	shalt  }
0x63: {  	_ =	shalt  }
0x64: {  	_ =	shalt  }
0x65: {  	_ =	shalt  }
0x66: {  	_ =	shalt  }
0x67: {  	_ =	shalt  }
0x68: {  	_ =	shalt  }
0x69: {  	_ =	shalt  }
0x6a: {  	_ =	shalt  }
0x6b: {  	_ =	shalt  }
0x6c: {  	_ =	shalt  }
0x6d: {  	_ =	shalt  }
0x6e: {  	_ =	shalt  }
0x6f: {  	_ =	shalt  }
0x70: {  	_ =	shalt  }
0x71: {  	_ =	shalt  }
0x72: {  	_ =	shalt  }
0x73: {  	_ =	shalt  }
0x74: {  	_ =	shalt  }
0x75: {  	_ =	shalt  }
0x76: {  	_ =	shalt  }
0x77: {  	_ =	shalt  }
0x78: {  	_ =	shalt  }
0x79: {  	_ =	shalt  }
0x7a: {  	_ =	shalt  }
0x7b: {  	_ =	shalt  }
0x7c: {  	_ =	shalt  }
0x7d: {  	_ =	shalt  }
0x7e: {  	_ =	shalt  }
0x7f: {  	_ =	shalt  }
0x80: {  	_ =	shalt  }
0x81: {  	_ =	shalt  }
0x82: {  	_ =	shalt  }
0x83: {  	_ =	shalt  }
0x84: {  	_ =	shalt  }
0x85: {  	_ =	shalt  }
0x86: {  	_ =	shalt  }
0x87: {  	_ =	shalt  }
.Lfunc_end0:
.L_simem_size_0:
called_computation_lowered:
.L_overlay_start_0:
0x88: {  	s2 =	sld [smem:$0x3FD9]  }
0x89: {  	s3 =	sld [smem:$0x3FFE];
	_ =	sdelay $0x1  }
0x8a: {  	s1 =	srdreg.scid  }
0x8b: {  	s0 =	sand.u32 $0x1, s1  }
0x8c: {  	s17 =	sshll.u32 s0, $0xA;
	s2 =	sadd.s32 s3, s2  }
0x8d: {  	s2 =	sadd.s32 s2, s17  }
0x8e: {  	[smem:$0x3FBF] =	sst s2  }
0x8f: {  	_ = 	snop  }
0x90: {  	s18 =	sld [smem:$0x3FC8];
	(tm) =	ssettm $0x1  }
0x91: {  	s19 =	sld [smem:$0x3FFB];
	_ =	sdelay $0x3  }
0x92: {  	_ =	strace s19  }
0x93: {  	s2 =	sld [smem:$0x3FFC];
	_ =	sdelay $0x3  }
0x94: {  	_ =	strace s2  }
0x95: {  	s2 =	sld [smem:$0x3FFD];
	_ =	sdelay $0x3  }
0x96: {  	_ =	strace s2  }
0x97: {  	_ =	strace $0x8FFFFFFF  }
0x98: {  	s20 =	sld [smem:$0x3FDB];
	_ =	sdelay $0x1  }
0x99: {  	s4 =	simm.s32 $_scs_section_size  }
0x9a: {  	s5 =	simm.s32 $_size__tile_overlayer_lowered;
	s6 =	simm.s32 $_tile_overlayer_lowered  }
0x9b: {  	s7 =	simm.s32 $0x1BFF;
	s21 =	sshll.u32 s6, $0x1;
	s4 =	sadd.s32 s4, s20  }
0x9c: {  	s22 =	simm.s32 $0x0;
	s5 =	sshll.u32 s5, $0x1;
	s6 =	sadd.s32 s21, s4  }
0x9d: {  	[timem:s22], [sflag:s7] =	dma.local [hbm:s6], s5  }
0x9e: {  	_ =	swait.ge [sflag:s7], s5  }
0x9f: {  	s5 =	ssub.s32 $0x0, s5;
	[sflag:s7] =	ssyncset.done $0x0  }
0xa0: {  	[sflag:s7] =	ssyncadd.s32 s5;
	_ =	sdelay $0x1  }
0xa1: {  	s23 =	simm.s32 $0x1B8B  }
0xa2: {  	_ =	swait.ge [sflag:s23], $0x1  }
0xa3: {  	[sflag:s23] =	ssyncset.done $0x0  }
0xa4: {  	[sflag:s23] =	ssyncadd.s32 $0xFFFFFFFF  }
0xa5: {  	s5 =	sld [smem:$0x0]  }
0xa6: {  	s6 =	sand.u32 $0xFFFFFFFE, s1  }
0xa7: {  	p0 =	sne.s32 s1, s6  }
0xa8: {  	s6 =	sshll.u32 @p0 s6, $0xE  }
0xa9: {  	s6 =	sadd.s32 @p0 $0x11B8D, s6;
	s7 =	sshll.u32 @p0 s5, $0x11  }
0xaa: {  	s6 =	sor.u32 @p0 s7, s6  }
0xab: {  	[sflag:s6] =	ssyncadd.remote.s32 @p0 $0x1;
	_ =	sdelay $0x1  }
0xac: {  	s6 =	simm.s32 @p0 $0x1B8D  }
0xad: {  	_ =	swait.eq @p0 [sflag:s6], $0x1  }
0xae: {  	[sflag:s6] =	ssyncadd.s32 @p0 $0xFFFFFFFF  }
0xaf: {  	s7 =	sshll.u32 @!p0 s1, $0xE  }
0xb0: {  	s7 =	sor.u32 @!p0 $0x4000, s7;
	s6 =	simm.s32 @!p0 $0x1B8D  }
0xb1: {  	s5 =	sshll.u32 @!p0 s5, $0x11;
	s7 =	sadd.s32 @!p0 $0x11B8D, s7;
	_ =	swait.eq @!p0 [sflag:s6], $0x1  }
0xb2: {  	s5 =	sor.u32 @!p0 s5, s7;
	[sflag:s6] =	ssyncadd.s32 @!p0 $0xFFFFFFFF  }
0xb3: {  	s25 =	simm.s32 $0x1B8E;
	s24 =	sld [smem:$0x3FFE];
	[sflag:s5] =	ssyncadd.remote.s32 @!p0 $0x1  }
0xb4: {  	s26 =	simm.s32 $execute0_lowered;
	[smem:$0x3FD2] =	sst s25  }
0xb5: {  	s6 =	sshll.u32 s26, $0x1;
	_ =	strace $0x80000049;
	[dreg:$0x1] =	wrdreg $0xFFFFFFFF  }
0xb6: {  	s28 =	simm.s32 $_size_execute0_lowered;
	s4 =	sadd.s32 s4, s6;
	[dreg:$0x0] =	wrdreg $0x0  }
0xb7: {  	s6 =	sshll.u32 s28, $0x1;
	[dreg:$0x2] =	wrdreg s4  }
0xb8: {  	[dreg:$0x3] =	wrdreg s6  }
0xb9: {  	[dreg:$0x4] =	wrdreg $0xC0  }
0xba: {  	_ =	task [dreg:s22], $0x5FFFF  }
0xbb: {  	[dreg:$0x1] =	wrdreg $0xFFFFFFFF  }
0xbc: {  	[dreg:$0x0] =	wrdreg $0x60  }
0xbd: {  	[dreg:$0x2] =	wrdreg s18  }
0xbe: {  	[dreg:$0x3] =	wrdreg s24  }
0xbf: {  	[dreg:$0x4] =	wrdreg $0x9  }
0xc0: {  	_ =	task.clear_ibuf [dreg:s22], $0x5FFFF;
	_ =	strace $0x90000049  }
0xc1: {  	s29 =	simm.s32 $0x9;
	_ =	strace $0x8000004B  }
0xc2: {  	_ =	swait.ge [sflag:s29], $0x1  }
0xc3: {  	[sflag:s29] =	ssyncadd.s32 $0xFFFFFFFF  }
0xc4: {  	_ =	strace $0x9000004B  }
0xc5: {  	_ =	sfence  }
0xc6: {  	s30 =	sld [smem:$0x0];
	_ =	sdelay $0x2  }
0xc7: {  	s31 =	sshll.u32 s1, $0xD;
	s1 =	sshrl.u32 s1, $0x2  }
0xc8: {  	s4 =	sand.u32 $0x4000, s31;
	s1 =	sadd.s32 s1, s30  }
0xc9: {  	s0 =	sor.u32 s4, s0;
	s1 =	sshll.u32 s1, $0x11  }
0xca: {  	s0 =	sor.u32 s1, s0  }
0xcb: {  	s0 =	sadd.s32 $0x8F2B, s0  }
0xcc: {  	[sflag:s0] =	ssyncadd.remote.s32 $0x1  }
0xcd: {  	_ =	sfence.sel $0xFFFF  }
0xce: {  	[dreg:$0x0] =	wrdreg $0xFFFFFFFF;
	(pc) =	sbr.abs _section_cstart, $3  }
0xcf: {  	[dreg:$0x1] =	wrdreg $0xFFFFFFFF  }
0xd0: {  	_ =	task.clear_ibuf [dreg:s22], $0x2FFFF;
	_ =	strace $0x9FFFFFFF  }
0xd1: {  	(tm) =	ssettm $0x7FFFFFFF  }
tec
execute0_lowered:
.L_overlay_start_1:
0x0: {  	(tag) =	ssettag $0x1  }
0x1: {  	s1 =	srdreg.scid  }
0x2: {  	s2 =	rddreg [dreg:$0x0];
	s0 =	stileid.u32;
	s10 =	sand.u32 $0x1, s1  }
0x3: {  	s8 =	rddreg [dreg:$0x1];
	s4 =	sshll.u32 s0, $0x9;
	s5 =	sshll.u32 s10, $0x8  }
0x4: {  	s3 =	simm.s32 $0x0;
	s1 =	rddreg [dreg:$0x2];
	s9 =	sor.u32 s5, s4  }
0x5: {  	[smem:$0x7FF] =	sst s3;
	s11 =	sadd.s32 $0x2800, s8;
	s4 =	sshrl.u32 s9, $0x3  }
0x6: {  	_ =	strace $0x8000004A;
	s5 =	sadd.s32 s11, s4;
	s4 =	simm.s32 $0x2  }
0x7: {  	[tilespmem:s3], [sflag:$0x2] =	stream.linear.gather [hbm4b:s5+s3], $0x80, $0x38;
	[tilespmem:$0x4080] =	vst v63  }
0x8: {  	_ =	swait.ge [sflag:s4], $0x80  }
0x9: {  	[sflag:s4] =	ssyncset.done $0x0  }
0xa: {  	s6 =	simm.s32 $0x80;
	s7 =	simm.s32 $0x1;
	[sflag:s4] =	ssyncadd.s32 $0xFFFFFF80  }
0xb: {  	[tilespmem:s6], [sflag:$0x1] =	stream.indirect.gather [hbm4b:s2+s6], $0x80, s3, s6, $0xb8;
	[tilespmem:$0x4080] =	vst v63  }
0xc: {  	_ =	swait.ge [sflag:s7], $0x4000  }
0xd: {  	s12 =	sadd.s32 $0x22C00, s8;
	s29 =	sshll.u32 s9, $0x4;
	[sflag:s7] =	ssyncset.done $0x0  }
0xe: {  	s8 =	sadd.s32 s12, s29;
	[sflag:s7] =	ssyncadd.s32 $0xFFFFC000  }
0xf: {  	[hbm4b:s8+s3] =	stream.linear.scatter [tilespmem:s6], [sflag:$0x2], $0x4000, $0x38;
	[tilespmem:$0x4080] =	vst v63  }
0x10: {  	s13 =	sor.u32 $0x80, s9;
	_ =	swait.ge [sflag:s4], $0x4000  }
0x11: {  	s9 =	sshrl.u32 s13, $0x3;
	[sflag:s4] =	ssyncset.done $0x0  }
0x12: {  	s10 =	ssub.s32 $0x2, s10;
	s9 =	sadd.s32 s11, s9;
	[sflag:s4] =	ssyncadd.s32 $0xFFFFC000  }
0x13: {  	[tilespmem:s3], [sflag:$0x2] =	stream.linear.gather [hbm4b:s9+s3], $0x80, $0x38;
	[tilespmem:$0x4080] =	vst v63  }
0x14: {  	s30 =	sshrl.u32 s10, $0x1;
	_ =	swait.ge [sflag:s4], $0x80  }
0x15: {  	s11 =	ssub.s32 s10, s30;
	[sflag:s4] =	ssyncset.done $0x0  }
0x16: {  	s11 =	smax.u32 s11, $0x1;
	[sflag:s4] =	ssyncadd.s32 $0xFFFFFF80  }
0x17: {  	[tilespmem:s6], [sflag:$0x1] =	stream.indirect.gather [hbm4b:s2+s6], $0x80, s3, s6, $0xb8;
	[tilespmem:$0x4080] =	vst v63  }
0x18: {  	p0 =	sne.s32 s11, $0x1;
	_ =	swait.ge [sflag:s7], $0x4000  }
.Ltmp0:
0x19: {  	s31 =	sshll.u32 s13, $0x4;
	[sflag:s7] =	ssyncset.done $0x0;
	(pc) =	sbr.rel @!p0 .LBB2_2-.Ltmp0, $4  }
0x1a: {  	s10 =	sadd.s32 s12, s31;
	[sflag:s7] =	ssyncadd.s32 $0xFFFFC000  }
0x1b: {  	[hbm4b:s10+s3] =	stream.linear.scatter [tilespmem:s6], [sflag:$0x2], $0x4000, $0x38;
	[tilespmem:$0x4080] =	vst v63  }
0x1c: {  	_ =	swait.ge [sflag:s4], $0x4000  }
0x1d: {  	s11 =	sadd.s32 $0xFFFFFFFF, s11;
	[sflag:s4] =	ssyncset.done $0x0  }
.LBB2_1:
0x1e: {  	p0 =	sne.s32 s11, $0x1;
	s11 =	sadd.s32 $0xFFFFFFFF, s11;
	[sflag:s4] =	ssyncadd.s32 $0xFFFFC000  }
0x1f: {  	[tilespmem:s3], [sflag:$0x2] =	stream.linear.gather [hbm4b:s5+s3], $0x80, $0x38;
	[tilespmem:$0x4080] =	vst v63  }
0x20: {  	_ =	swait.ge [sflag:s4], $0x80  }
0x21: {  	[sflag:s4] =	ssyncset.done $0x0  }
0x22: {  	[sflag:s4] =	ssyncadd.s32 $0xFFFFFF80  }
0x23: {  	[tilespmem:s6], [sflag:$0x1] =	stream.indirect.gather [hbm4b:s2+s6], $0x80, s3, s6, $0xb8;
	[tilespmem:$0x4080] =	vst v63  }
0x24: {  	_ =	swait.ge [sflag:s7], $0x4000  }
0x25: {  	[sflag:s7] =	ssyncset.done $0x0  }
0x26: {  	[sflag:s7] =	ssyncadd.s32 $0xFFFFC000  }
0x27: {  	[hbm4b:s8+s3] =	stream.linear.scatter [tilespmem:s6], [sflag:$0x2], $0x4000, $0x38;
	[tilespmem:$0x4080] =	vst v63  }
0x28: {  	_ =	swait.ge [sflag:s4], $0x4000  }
0x29: {  	[sflag:s4] =	ssyncset.done $0x0  }
0x2a: {  	[sflag:s4] =	ssyncadd.s32 $0xFFFFC000  }
0x2b: {  	[tilespmem:s3], [sflag:$0x2] =	stream.linear.gather [hbm4b:s9+s3], $0x80, $0x38;
	[tilespmem:$0x4080] =	vst v63  }
0x2c: {  	_ =	swait.ge [sflag:s4], $0x80  }
0x2d: {  	[sflag:s4] =	ssyncset.done $0x0  }
0x2e: {  	[sflag:s4] =	ssyncadd.s32 $0xFFFFFF80  }
0x2f: {  	[tilespmem:s6], [sflag:$0x1] =	stream.indirect.gather [hbm4b:s2+s6], $0x80, s3, s6, $0xb8;
	[tilespmem:$0x4080] =	vst v63  }
0x30: {  	_ =	swait.ge [sflag:s7], $0x4000  }
.Ltmp1:
0x31: {  	[sflag:s7] =	ssyncset.done $0x0;
	(pc) =	sbr.rel @p0 .LBB2_1-.Ltmp1, $4  }
0x32: {  	[sflag:s7] =	ssyncadd.s32 $0xFFFFC000  }
0x33: {  	[hbm4b:s10+s3] =	stream.linear.scatter [tilespmem:s6], [sflag:$0x2], $0x4000, $0x38;
	[tilespmem:$0x4080] =	vst v63  }
0x34: {  	_ =	swait.ge [sflag:s4], $0x4000  }
0x35: {  	[sflag:s4] =	ssyncset.done $0x0  }
.LBB2_2:
0x36: {  	[sflag:s4] =	ssyncadd.s32 $0xFFFFC000  }
0x37: {  	_ =	sfence.sel $0x180000  }
0x38: {  	[bflag:$0x0] =	sbarrier.arrive $0xFFFF  }
0x39: {  	p0 =	sne.s32 s0, $0x0;
	_ =	strace $0x9000004A  }
0x3a: {  	s0 =	sadd.s32 @!p0 $0x100000, s1;
	[bflag:$0x2] =	sbarrier.arrive $0xFFFF  }
0x3b: {  	[sflag:s0] =	ssyncadd.tile.s32 @!p0 $0x1;
	_ =	shalt  }
.Lfunc_end2:
_tile_overlayer_lowered:
.L_overlay_start_2:
0x3c: {  	(tag) =	ssettag $0x2  }
0x3d: {  	s0 =	rddreg [dreg:$0x0];
	s2 =	stileid.u32  }
0x3e: {  	s1 =	rddreg [dreg:$0x1];
	p0 =	sne.s32 s2, $0x0  }
0x3f: {  	s3 =	rddreg [dreg:$0x2];
	[bflag:$0x3] =	sbarrier.arrive $0xFFFF;
	s2 =	simm.s32 @!p0 $0x1C02  }
0x40: {  	[timem:s3], [sflag:s2] =	dma.local @!p0 [hbm:s0], s1  }
0x41: {  	s0 =	simm.s32 @!p0 $0x2  }
0x42: {  	_ =	swait.ge @!p0 [sflag:s0], s1  }
0x43: {  	s1 =	ssub.s32 @!p0 $0x0, s1;
	[sflag:s0] =	ssyncset.done @!p0 $0x0  }
0x44: {  	[sflag:s0] =	ssyncadd.s32 @!p0 s1  }
0x45: {  	[bflag:$0x3] =	sbarrier.arrive $0xFFFF  }
0x46: {  	_ =	shalt  }

// kernel: kernel.13.cloned.1.call-start
scs
__scs_entry_jumppad:
0x0: {  	(pc) =	sbr.rel $0x88, $3  }
0x1: {  	(tag) =	ssettag $0x0;
	lr =	simm.s32 $0x1  }
0x2: {  	[smem:$0x3F98] =	sst lr;
	_ =	strace $0xD0000000  }
0x3: {  	_ = 	snop  }
0x4: {  	_ = 	snop  }
0x5: {  	_ = 	snop  }
0x6: {  	_ = 	snop  }
0x7: {  	_ = 	snop  }
__scs_overlays_trampoline_lowered:
0x8: {  	[smem:$0x3FA7] =	sst s0  }
0x9: {  	[smem:$0x3FA8] =	sst s1  }
0xa: {  	[smem:$0x3FA9] =	sst s2  }
0xb: {  	[smem:$0x3FAA] =	sst s3  }
0xc: {  	[smem:$0x3FAB] =	sst s4  }
0xd: {  	[smem:$0x3FAC] =	sst s5  }
0xe: {  	[smem:$0x3FAD] =	sst s6  }
0xf: {  	[smem:$0x3FAE] =	sst s7  }
0x10: {  	[smem:$0x3FAF] =	sst s8  }
0x11: {  	[smem:$0x3FB0] =	sst s9;
	s0 =	simm.s32 @!p0 $0x0  }
0x12: {  	s1 =	sld [smem:$0x3F96];
	s0 =	simm.s32 @p0 $0x1  }
0x13: {  	[smem:$0x3FB1] =	sst s0;
	s0 =	simm.s32 @!p1 $0x0  }
0x14: {  	s2 =	sld [smem:$0x3F95];
	s0 =	simm.s32 @p1 $0x1  }
0x15: {  	[smem:$0x3FB2] =	sst s0;
	s0 =	simm.s32 @!p2 $0x0  }
0x16: {  	s3 =	sld [smem:$0x3FDB];
	s0 =	simm.s32 @p2 $0x1  }
0x17: {  	s4 =	simm.s32 $0x1BF5;
	[smem:$0x3FB4] =	sst s0  }
0x18: {  	s0 =	sld [smem:$0x3F97];
	_ =	swait.ge [sflag:s4], $0x0  }
0x19: {  	s7 =	sld [smem:$0x3F98]  }
0x1a: {  	s8 =	sadd.s32 $0xFFFFE003, lr  }
0x1b: {  	s9 =	sadd.s32 $0xFFFFFEF7, lr;
	s5 =	simm.s32 $0xFFFFFFFF;
	p2 =	slt.u32 s8, $0xFFFFF086  }
0x1c: {  	p1 =	slt.u32 s9, $0xF7A;
	s5 =	simm.s32 @!p2 $0x0  }
0x1d: {  	s5 =	simm.s32 @p1 $0x1;
	p0 =	seq.s32 s7, s2  }
0x1e: {  	s7 =	smul.u32 @!p0 $0xF7A, s2;
	p2 =	seq.s32 @!p0 s5, $0x0  }
0x1f: {  	s9 =	smul.u32 $0xF7A, s1;
	s8 =	simm.s32 @!p0 $0x1BF5;
	p2 =	por !p2, p0  }
0x20: {  	[sflag:s8] =	ssyncset.s32 @!p0 $0xFFFFF086;
	s6 =	sadd.s32 @!p0 s3, s7;
	s7 =	simm.s32 @!p0 $0x108  }
0x21: {  	s3 =	sadd.s32 s3, s9;
	s6 =	sadd.s32 @!p0 $0x88, s6;
	s7 =	simm.s32 @p2 $0x1082  }
0x22: {  	[simem:s7], [sflag:s8] =	dma.local @!p0 [hbm:s6], $0xF7A  }
0x23: {  	s9 =	sor.u32 $0xD0000000, s2;
	s6 =	simm.s32 $0x108;
	_ =	swait.ge @!p0 [sflag:s8], $0x0  }
0x24: {  	s3 =	sadd.s32 $0x88, s3;
	s6 =	simm.s32 @!p1 $0x1082;
	[sflag:s4] =	ssyncset.s32 $0xFFFFF086  }
0x25: {  	[simem:s6], [sflag:s4] =	dma.local [hbm:s3], $0xF7A  }
0x26: {  	[smem:$0x3F98] =	sst s1;
	(tag) =	ssettag s2;
	_ =	strace s9  }
0x27: {  	s1 =	sld [smem:$0x3FA8]  }
0x28: {  	s2 =	sld [smem:$0x3FA9]  }
0x29: {  	s4 =	sld [smem:$0x3FAB]  }
0x2a: {  	p0 =	seq.s32 s5, $0x0;
	s5 =	sld [smem:$0x3FAC]  }
0x2b: {  	s6 =	sld [smem:$0x3FAD]  }
0x2c: {  	s7 =	sld [smem:$0x3FAE]  }
0x2d: {  	s3 =	simm.s32 $0x108;
	s8 =	sld [smem:$0x3FAF]  }
0x2e: {  	s3 =	simm.s32 @!p0 $0x1082;
	s9 =	sld [smem:$0x3FB0]  }
0x2f: {  	lr =	sadd.s32 s0, s3;
	s0 =	sld [smem:$0x3FA7]  }
0x30: {  	s3 =	sld [smem:$0x3FAA]  }
0x31: {  	[smem:$0x3FB3] =	sst s10  }
0x32: {  	s10 =	sld [smem:$0x3FB1];
	_ =	sdelay $0x3  }
0x33: {  	p0 =	seq.s32 s10, $0x1;
	s10 =	sld [smem:$0x3FB3];
	_ =	sdelay $0x3  }
0x34: {  	[smem:$0x3FB3] =	sst s10  }
0x35: {  	s10 =	sld [smem:$0x3FB2];
	_ =	sdelay $0x3  }
0x36: {  	p1 =	seq.s32 s10, $0x1;
	s10 =	sld [smem:$0x3FB3];
	_ =	sdelay $0x3  }
0x37: {  	[smem:$0x3FB3] =	sst s10  }
0x38: {  	s10 =	sld [smem:$0x3FB4]  }
0x39: {  	_ = 	snop;
	(pc) =	sbr.ind lr, $3  }
0x3a: {  	_ = 	snop  }
0x3b: {  	_ = 	snop  }
0x3c: {  	p2 =	seq.s32 s10, $0x1;
	s10 =	sld [smem:$0x3FB3]  }
0x3d: {  	_ =	shalt  }
0x3e: {  	_ =	shalt  }
0x3f: {  	_ =	shalt  }
0x40: {  	_ =	shalt  }
0x41: {  	_ =	shalt  }
0x42: {  	_ =	shalt  }
0x43: {  	_ =	shalt  }
0x44: {  	_ =	shalt  }
0x45: {  	_ =	shalt  }
0x46: {  	_ =	shalt  }
0x47: {  	_ =	shalt  }
0x48: {  	_ =	shalt  }
0x49: {  	_ =	shalt  }
0x4a: {  	_ =	shalt  }
0x4b: {  	_ =	shalt  }
0x4c: {  	_ =	shalt  }
0x4d: {  	_ =	shalt  }
0x4e: {  	_ =	shalt  }
0x4f: {  	_ =	shalt  }
0x50: {  	_ =	shalt  }
0x51: {  	_ =	shalt  }
0x52: {  	_ =	shalt  }
0x53: {  	_ =	shalt  }
0x54: {  	_ =	shalt  }
0x55: {  	_ =	shalt  }
0x56: {  	_ =	shalt  }
0x57: {  	_ =	shalt  }
0x58: {  	_ =	shalt  }
0x59: {  	_ =	shalt  }
0x5a: {  	_ =	shalt  }
0x5b: {  	_ =	shalt  }
0x5c: {  	_ =	shalt  }
0x5d: {  	_ =	shalt  }
0x5e: {  	_ =	shalt  }
0x5f: {  	_ =	shalt  }
0x60: {  	_ =	shalt  }
0x61: {  	_ =	shalt  }
0x62: {  	_ =	shalt  }
0x63: {  	_ =	shalt  }
0x64: {  	_ =	shalt  }
0x65: {  	_ =	shalt  }
0x66: {  	_ =	shalt  }
0x67: {  	_ =	shalt  }
0x68: {  	_ =	shalt  }
0x69: {  	_ =	shalt  }
0x6a: {  	_ =	shalt  }
0x6b: {  	_ =	shalt  }
0x6c: {  	_ =	shalt  }
0x6d: {  	_ =	shalt  }
0x6e: {  	_ =	shalt  }
0x6f: {  	_ =	shalt  }
0x70: {  	_ =	shalt  }
0x71: {  	_ =	shalt  }
0x72: {  	_ =	shalt  }
0x73: {  	_ =	shalt  }
0x74: {  	_ =	shalt  }
0x75: {  	_ =	shalt  }
0x76: {  	_ =	shalt  }
0x77: {  	_ =	shalt  }
0x78: {  	_ =	shalt  }
0x79: {  	_ =	shalt  }
0x7a: {  	_ =	shalt  }
0x7b: {  	_ =	shalt  }
0x7c: {  	_ =	shalt  }
0x7d: {  	_ =	shalt  }
0x7e: {  	_ =	shalt  }
0x7f: {  	_ =	shalt  }
0x80: {  	_ =	shalt  }
0x81: {  	_ =	shalt  }
0x82: {  	_ =	shalt  }
0x83: {  	_ =	shalt  }
0x84: {  	_ =	shalt  }
0x85: {  	_ =	shalt  }
0x86: {  	_ =	shalt  }
0x87: {  	_ =	shalt  }
.Lfunc_end0:
.L_simem_size_0:
called_computation.1_lowered:
.L_overlay_start_0:
0x88: {  	s2 =	sld [smem:$0x3FD9]  }
0x89: {  	s3 =	sld [smem:$0x3FFE];
	_ =	sdelay $0x1  }
0x8a: {  	s1 =	srdreg.scid  }
0x8b: {  	s0 =	sand.u32 $0x1, s1  }
0x8c: {  	s16 =	sshll.u32 s0, $0xA;
	s2 =	sadd.s32 s3, s2  }
0x8d: {  	s2 =	sadd.s32 s2, s16  }
0x8e: {  	[smem:$0x3FBF] =	sst s2  }
0x8f: {  	_ = 	snop  }
0x90: {  	(tm) =	ssettm $0x1  }
0x91: {  	s17 =	sld [smem:$0x3FFB];
	_ =	sdelay $0x3  }
0x92: {  	_ =	strace s17  }
0x93: {  	s2 =	sld [smem:$0x3FFC];
	_ =	sdelay $0x3  }
0x94: {  	_ =	strace s2  }
0x95: {  	s2 =	sld [smem:$0x3FFD];
	_ =	sdelay $0x3  }
0x96: {  	_ =	strace s2  }
0x97: {  	_ =	strace $0x8FFFFFFF  }
0x98: {  	s18 =	sld [smem:$0x3FDB];
	_ =	sdelay $0x1  }
0x99: {  	s19 =	simm.s32 $_scs_section_size  }
0x9a: {  	s4 =	simm.s32 $_size__tile_overlayer_lowered;
	s5 =	simm.s32 $_tile_overlayer_lowered  }
0x9b: {  	s22 =	simm.s32 $0x1BFF;
	s21 =	sshll.u32 s5, $0x1;
	s2 =	sadd.s32 s19, s18  }
0x9c: {  	s6 =	simm.s32 $0x0;
	s20 =	sshll.u32 s4, $0x1;
	s4 =	sadd.s32 s21, s2  }
0x9d: {  	[timem:s6], [sflag:s22] =	dma.local [hbm:s4], s20  }
0x9e: {  	_ =	swait.ge [sflag:s22], s20  }
0x9f: {  	s3 =	ssub.s32 $0x0, s20;
	[sflag:s22] =	ssyncset.done $0x0  }
0xa0: {  	[sflag:s22] =	ssyncadd.s32 s3;
	_ =	sdelay $0x1  }
0xa1: {  	s23 =	simm.s32 $0x1B8B  }
0xa2: {  	_ =	swait.ge [sflag:s23], $0x1  }
0xa3: {  	[sflag:s23] =	ssyncset.done $0x0  }
0xa4: {  	s25 =	simm.s32 $0x1B8E;
	s24 =	sld [smem:$0x3FFE];
	[sflag:s23] =	ssyncadd.s32 $0xFFFFFFFF  }
0xa5: {  	s26 =	simm.s32 $execute0_lowered;
	[smem:$0x3FD2] =	sst s25  }
0xa6: {  	s4 =	sshll.u32 s26, $0x1;
	_ =	strace $0x80000046;
	[dreg:$0x1] =	wrdreg $0xFFFFFFFF  }
0xa7: {  	s28 =	simm.s32 $_size_execute0_lowered;
	s2 =	sadd.s32 s2, s4;
	[dreg:$0x0] =	wrdreg $0x0  }
0xa8: {  	s4 =	sshll.u32 s28, $0x1;
	[dreg:$0x2] =	wrdreg s2  }
0xa9: {  	[dreg:$0x3] =	wrdreg s4  }
0xaa: {  	[dreg:$0x4] =	wrdreg $0xC0  }
0xab: {  	_ =	task [dreg:s6], $0x5FFFF  }
0xac: {  	[dreg:$0x1] =	wrdreg $0xFFFFFFFF  }
0xad: {  	[dreg:$0x0] =	wrdreg $0x60  }
0xae: {  	[dreg:$0x2] =	wrdreg s24  }
0xaf: {  	[dreg:$0x3] =	wrdreg $0xA  }
0xb0: {  	_ =	task.clear_ibuf [dreg:s6], $0x4FFFF;
	_ =	strace $0x90000046  }
0xb1: {  	s29 =	simm.s32 $0xA;
	_ =	strace $0x80000048  }
0xb2: {  	_ =	swait.ge [sflag:s29], $0x1  }
0xb3: {  	[sflag:s29] =	ssyncadd.s32 $0xFFFFFFFF  }
0xb4: {  	_ =	strace $0x90000048  }
0xb5: {  	_ =	sfence  }
0xb6: {  	s30 =	sld [smem:$0x0];
	_ =	sdelay $0x2  }
0xb7: {  	s31 =	sshll.u32 s1, $0xD;
	s1 =	sshrl.u32 s1, $0x2  }
0xb8: {  	s3 =	sand.u32 $0x4000, s31;
	s1 =	sadd.s32 s1, s30  }
0xb9: {  	s0 =	sor.u32 s3, s0;
	s1 =	sshll.u32 s1, $0x11  }
0xba: {  	s0 =	sor.u32 s1, s0  }
0xbb: {  	s0 =	sadd.s32 $0x8F2B, s0  }
0xbc: {  	[sflag:s0] =	ssyncadd.remote.s32 $0x1  }
0xbd: {  	_ =	sfence.sel $0xFFFF  }
0xbe: {  	[dreg:$0x0] =	wrdreg $0xFFFFFFFF;
	(pc) =	sbr.abs _section_cstart, $3  }
0xbf: {  	[dreg:$0x1] =	wrdreg $0xFFFFFFFF  }
0xc0: {  	_ =	task.clear_ibuf [dreg:s6], $0x2FFFF;
	_ =	strace $0x9FFFFFFF  }
0xc1: {  	(tm) =	ssettm $0x7FFFFFFF  }
tec
execute0_lowered:
.L_overlay_start_1:
0x0: {  	(tag) =	ssettag $0x1  }
0x1: {  	s1 =	srdreg.scid  }
0x2: {  	s0 =	stileid.u32;
	s10 =	sand.u32 $0x1, s1  }
0x3: {  	s8 =	rddreg [dreg:$0x0];
	s3 =	sshll.u32 s0, $0x9;
	s4 =	sshll.u32 s10, $0x8  }
0x4: {  	s2 =	simm.s32 $0x0;
	s1 =	rddreg [dreg:$0x1];
	s9 =	sor.u32 s4, s3  }
0x5: {  	[smem:$0x7FF] =	sst s2;
	s11 =	sadd.s32 $0x2800, s8;
	s3 =	sshrl.u32 s9, $0x3  }
0x6: {  	_ =	strace $0x80000047;
	s4 =	sadd.s32 s11, s3;
	s3 =	simm.s32 $0x2  }
0x7: {  	[tilespmem:s2], [sflag:$0x2] =	stream.linear.gather [hbm4b:s4+s2], $0x80, $0x38;
	[tilespmem:$0x4080] =	vst v63  }
0x8: {  	_ =	swait.ge [sflag:s3], $0x80  }
0x9: {  	s6 =	simm.s32 $0x80;
	[sflag:s3] =	ssyncset.done $0x0  }
0xa: {  	s7 =	simm.s32 $0x1;
	s5 =	sadd.s32 $0x82C00, s8;
	[sflag:s3] =	ssyncadd.s32 $0xFFFFFF80  }
0xb: {  	[tilespmem:s6], [sflag:$0x1] =	stream.indirect.gather [hbm4b:s5+s6], $0x80, s2, s6, $0xb8;
	[tilespmem:$0x4080] =	vst v63  }
0xc: {  	_ =	swait.ge [sflag:s7], $0x4000  }
0xd: {  	s12 =	sadd.s32 $0x2C00, s8;
	s29 =	sshll.u32 s9, $0x4;
	[sflag:s7] =	ssyncset.done $0x0  }
0xe: {  	s8 =	sadd.s32 s12, s29;
	[sflag:s7] =	ssyncadd.s32 $0xFFFFC000  }
0xf: {  	[hbm4b:s8+s2] =	stream.linear.scatter [tilespmem:s6], [sflag:$0x2], $0x4000, $0x38;
	[tilespmem:$0x4080] =	vst v63  }
0x10: {  	s13 =	sor.u32 $0x80, s9;
	_ =	swait.ge [sflag:s3], $0x4000  }
0x11: {  	s9 =	sshrl.u32 s13, $0x3;
	[sflag:s3] =	ssyncset.done $0x0  }
0x12: {  	s10 =	ssub.s32 $0x2, s10;
	s9 =	sadd.s32 s11, s9;
	[sflag:s3] =	ssyncadd.s32 $0xFFFFC000  }
0x13: {  	[tilespmem:s2], [sflag:$0x2] =	stream.linear.gather [hbm4b:s9+s2], $0x80, $0x38;
	[tilespmem:$0x4080] =	vst v63  }
0x14: {  	s30 =	sshrl.u32 s10, $0x1;
	_ =	swait.ge [sflag:s3], $0x80  }
0x15: {  	s11 =	ssub.s32 s10, s30;
	[sflag:s3] =	ssyncset.done $0x0  }
0x16: {  	s11 =	smax.u32 s11, $0x1;
	[sflag:s3] =	ssyncadd.s32 $0xFFFFFF80  }
0x17: {  	[tilespmem:s6], [sflag:$0x1] =	stream.indirect.gather [hbm4b:s5+s6], $0x80, s2, s6, $0xb8;
	[tilespmem:$0x4080] =	vst v63  }
0x18: {  	p0 =	sne.s32 s11, $0x1;
	_ =	swait.ge [sflag:s7], $0x4000  }
.Ltmp0:
0x19: {  	s31 =	sshll.u32 s13, $0x4;
	[sflag:s7] =	ssyncset.done $0x0;
	(pc) =	sbr.rel @!p0 .LBB2_2-.Ltmp0, $4  }
0x1a: {  	s10 =	sadd.s32 s12, s31;
	[sflag:s7] =	ssyncadd.s32 $0xFFFFC000  }
0x1b: {  	[hbm4b:s10+s2] =	stream.linear.scatter [tilespmem:s6], [sflag:$0x2], $0x4000, $0x38;
	[tilespmem:$0x4080] =	vst v63  }
0x1c: {  	_ =	swait.ge [sflag:s3], $0x4000  }
0x1d: {  	s11 =	sadd.s32 $0xFFFFFFFF, s11;
	[sflag:s3] =	ssyncset.done $0x0  }
.LBB2_1:
0x1e: {  	p0 =	sne.s32 s11, $0x1;
	s11 =	sadd.s32 $0xFFFFFFFF, s11;
	[sflag:s3] =	ssyncadd.s32 $0xFFFFC000  }
0x1f: {  	[tilespmem:s2], [sflag:$0x2] =	stream.linear.gather [hbm4b:s4+s2], $0x80, $0x38;
	[tilespmem:$0x4080] =	vst v63  }
0x20: {  	_ =	swait.ge [sflag:s3], $0x80  }
0x21: {  	[sflag:s3] =	ssyncset.done $0x0  }
0x22: {  	[sflag:s3] =	ssyncadd.s32 $0xFFFFFF80  }
0x23: {  	[tilespmem:s6], [sflag:$0x1] =	stream.indirect.gather [hbm4b:s5+s6], $0x80, s2, s6, $0xb8;
	[tilespmem:$0x4080] =	vst v63  }
0x24: {  	_ =	swait.ge [sflag:s7], $0x4000  }
0x25: {  	[sflag:s7] =	ssyncset.done $0x0  }
0x26: {  	[sflag:s7] =	ssyncadd.s32 $0xFFFFC000  }
0x27: {  	[hbm4b:s8+s2] =	stream.linear.scatter [tilespmem:s6], [sflag:$0x2], $0x4000, $0x38;
	[tilespmem:$0x4080] =	vst v63  }
0x28: {  	_ =	swait.ge [sflag:s3], $0x4000  }
0x29: {  	[sflag:s3] =	ssyncset.done $0x0  }
0x2a: {  	[sflag:s3] =	ssyncadd.s32 $0xFFFFC000  }
0x2b: {  	[tilespmem:s2], [sflag:$0x2] =	stream.linear.gather [hbm4b:s9+s2], $0x80, $0x38;
	[tilespmem:$0x4080] =	vst v63  }
0x2c: {  	_ =	swait.ge [sflag:s3], $0x80  }
0x2d: {  	[sflag:s3] =	ssyncset.done $0x0  }
0x2e: {  	[sflag:s3] =	ssyncadd.s32 $0xFFFFFF80  }
0x2f: {  	[tilespmem:s6], [sflag:$0x1] =	stream.indirect.gather [hbm4b:s5+s6], $0x80, s2, s6, $0xb8;
	[tilespmem:$0x4080] =	vst v63  }
0x30: {  	_ =	swait.ge [sflag:s7], $0x4000  }
.Ltmp1:
0x31: {  	[sflag:s7] =	ssyncset.done $0x0;
	(pc) =	sbr.rel @p0 .LBB2_1-.Ltmp1, $4  }
0x32: {  	[sflag:s7] =	ssyncadd.s32 $0xFFFFC000  }
0x33: {  	[hbm4b:s10+s2] =	stream.linear.scatter [tilespmem:s6], [sflag:$0x2], $0x4000, $0x38;
	[tilespmem:$0x4080] =	vst v63  }
0x34: {  	_ =	swait.ge [sflag:s3], $0x4000  }
0x35: {  	[sflag:s3] =	ssyncset.done $0x0  }
.LBB2_2:
0x36: {  	[sflag:s3] =	ssyncadd.s32 $0xFFFFC000  }
0x37: {  	_ =	sfence.sel $0x180000  }
0x38: {  	[bflag:$0x0] =	sbarrier.arrive $0xFFFF  }
0x39: {  	p0 =	sne.s32 s0, $0x0;
	_ =	strace $0x90000047  }
0x3a: {  	s0 =	sadd.s32 @!p0 $0x100000, s1;
	[bflag:$0x2] =	sbarrier.arrive $0xFFFF  }
0x3b: {  	[sflag:s0] =	ssyncadd.tile.s32 @!p0 $0x1;
	_ =	shalt  }
.Lfunc_end2:
_tile_overlayer_lowered:
.L_overlay_start_2:
0x3c: {  	(tag) =	ssettag $0x2  }
0x3d: {  	s0 =	rddreg [dreg:$0x0];
	s2 =	stileid.u32  }
0x3e: {  	s1 =	rddreg [dreg:$0x1];
	p0 =	sne.s32 s2, $0x0  }
0x3f: {  	s3 =	rddreg [dreg:$0x2];
	[bflag:$0x3] =	sbarrier.arrive $0xFFFF;
	s2 =	simm.s32 @!p0 $0x1C02  }
0x40: {  	[timem:s3], [sflag:s2] =	dma.local @!p0 [hbm:s0], s1  }
0x41: {  	s0 =	simm.s32 @!p0 $0x2  }
0x42: {  	_ =	swait.ge @!p0 [sflag:s0], s1  }
0x43: {  	s1 =	ssub.s32 @!p0 $0x0, s1;
	[sflag:s0] =	ssyncset.done @!p0 $0x0  }
0x44: {  	[sflag:s0] =	ssyncadd.s32 @!p0 s1  }
0x45: {  	[bflag:$0x3] =	sbarrier.arrive $0xFFFF  }
0x46: {  	_ =	shalt  }

// kernel: kernel.16.cloned.1.call-start
scs
__scs_entry_jumppad:
0x0: {  	(pc) =	sbr.rel $0x88, $3  }
0x1: {  	(tag) =	ssettag $0x0;
	lr =	simm.s32 $0x1  }
0x2: {  	[smem:$0x3F98] =	sst lr;
	_ =	strace $0xD0000000  }
0x3: {  	_ = 	snop  }
0x4: {  	_ = 	snop  }
0x5: {  	_ = 	snop  }
0x6: {  	_ = 	snop  }
0x7: {  	_ = 	snop  }
__scs_overlays_trampoline_lowered:
0x8: {  	[smem:$0x3FA7] =	sst s0  }
0x9: {  	[smem:$0x3FA8] =	sst s1  }
0xa: {  	[smem:$0x3FA9] =	sst s2  }
0xb: {  	[smem:$0x3FAA] =	sst s3  }
0xc: {  	[smem:$0x3FAB] =	sst s4  }
0xd: {  	[smem:$0x3FAC] =	sst s5  }
0xe: {  	[smem:$0x3FAD] =	sst s6  }
0xf: {  	[smem:$0x3FAE] =	sst s7  }
0x10: {  	[smem:$0x3FAF] =	sst s8  }
0x11: {  	[smem:$0x3FB0] =	sst s9;
	s0 =	simm.s32 @!p0 $0x0  }
0x12: {  	s1 =	sld [smem:$0x3F96];
	s0 =	simm.s32 @p0 $0x1  }
0x13: {  	[smem:$0x3FB1] =	sst s0;
	s0 =	simm.s32 @!p1 $0x0  }
0x14: {  	s2 =	sld [smem:$0x3F95];
	s0 =	simm.s32 @p1 $0x1  }
0x15: {  	[smem:$0x3FB2] =	sst s0;
	s0 =	simm.s32 @!p2 $0x0  }
0x16: {  	s3 =	sld [smem:$0x3FDB];
	s0 =	simm.s32 @p2 $0x1  }
0x17: {  	s4 =	simm.s32 $0x1BF5;
	[smem:$0x3FB4] =	sst s0  }
0x18: {  	s0 =	sld [smem:$0x3F97];
	_ =	swait.ge [sflag:s4], $0x0  }
0x19: {  	s7 =	sld [smem:$0x3F98]  }
0x1a: {  	s8 =	sadd.s32 $0xFFFFE003, lr  }
0x1b: {  	s9 =	sadd.s32 $0xFFFFFEF7, lr;
	s5 =	simm.s32 $0xFFFFFFFF;
	p2 =	slt.u32 s8, $0xFFFFF086  }
0x1c: {  	p1 =	slt.u32 s9, $0xF7A;
	s5 =	simm.s32 @!p2 $0x0  }
0x1d: {  	s5 =	simm.s32 @p1 $0x1;
	p0 =	seq.s32 s7, s2  }
0x1e: {  	s7 =	smul.u32 @!p0 $0xF7A, s2;
	p2 =	seq.s32 @!p0 s5, $0x0  }
0x1f: {  	s9 =	smul.u32 $0xF7A, s1;
	s8 =	simm.s32 @!p0 $0x1BF5;
	p2 =	por !p2, p0  }
0x20: {  	[sflag:s8] =	ssyncset.s32 @!p0 $0xFFFFF086;
	s6 =	sadd.s32 @!p0 s3, s7;
	s7 =	simm.s32 @!p0 $0x108  }
0x21: {  	s3 =	sadd.s32 s3, s9;
	s6 =	sadd.s32 @!p0 $0x88, s6;
	s7 =	simm.s32 @p2 $0x1082  }
0x22: {  	[simem:s7], [sflag:s8] =	dma.local @!p0 [hbm:s6], $0xF7A  }
0x23: {  	s9 =	sor.u32 $0xD0000000, s2;
	s6 =	simm.s32 $0x108;
	_ =	swait.ge @!p0 [sflag:s8], $0x0  }
0x24: {  	s3 =	sadd.s32 $0x88, s3;
	s6 =	simm.s32 @!p1 $0x1082;
	[sflag:s4] =	ssyncset.s32 $0xFFFFF086  }
0x25: {  	[simem:s6], [sflag:s4] =	dma.local [hbm:s3], $0xF7A  }
0x26: {  	[smem:$0x3F98] =	sst s1;
	(tag) =	ssettag s2;
	_ =	strace s9  }
0x27: {  	s1 =	sld [smem:$0x3FA8]  }
0x28: {  	s2 =	sld [smem:$0x3FA9]  }
0x29: {  	s4 =	sld [smem:$0x3FAB]  }
0x2a: {  	p0 =	seq.s32 s5, $0x0;
	s5 =	sld [smem:$0x3FAC]  }
0x2b: {  	s6 =	sld [smem:$0x3FAD]  }
0x2c: {  	s7 =	sld [smem:$0x3FAE]  }
0x2d: {  	s3 =	simm.s32 $0x108;
	s8 =	sld [smem:$0x3FAF]  }
0x2e: {  	s3 =	simm.s32 @!p0 $0x1082;
	s9 =	sld [smem:$0x3FB0]  }
0x2f: {  	lr =	sadd.s32 s0, s3;
	s0 =	sld [smem:$0x3FA7]  }
0x30: {  	s3 =	sld [smem:$0x3FAA]  }
0x31: {  	[smem:$0x3FB3] =	sst s10  }
0x32: {  	s10 =	sld [smem:$0x3FB1];
	_ =	sdelay $0x3  }
0x33: {  	p0 =	seq.s32 s10, $0x1;
	s10 =	sld [smem:$0x3FB3];
	_ =	sdelay $0x3  }
0x34: {  	[smem:$0x3FB3] =	sst s10  }
0x35: {  	s10 =	sld [smem:$0x3FB2];
	_ =	sdelay $0x3  }
0x36: {  	p1 =	seq.s32 s10, $0x1;
	s10 =	sld [smem:$0x3FB3];
	_ =	sdelay $0x3  }
0x37: {  	[smem:$0x3FB3] =	sst s10  }
0x38: {  	s10 =	sld [smem:$0x3FB4]  }
0x39: {  	_ = 	snop;
	(pc) =	sbr.ind lr, $3  }
0x3a: {  	_ = 	snop  }
0x3b: {  	_ = 	snop  }
0x3c: {  	p2 =	seq.s32 s10, $0x1;
	s10 =	sld [smem:$0x3FB3]  }
0x3d: {  	_ =	shalt  }
0x3e: {  	_ =	shalt  }
0x3f: {  	_ =	shalt  }
0x40: {  	_ =	shalt  }
0x41: {  	_ =	shalt  }
0x42: {  	_ =	shalt  }
0x43: {  	_ =	shalt  }
0x44: {  	_ =	shalt  }
0x45: {  	_ =	shalt  }
0x46: {  	_ =	shalt  }
0x47: {  	_ =	shalt  }
0x48: {  	_ =	shalt  }
0x49: {  	_ =	shalt  }
0x4a: {  	_ =	shalt  }
0x4b: {  	_ =	shalt  }
0x4c: {  	_ =	shalt  }
0x4d: {  	_ =	shalt  }
0x4e: {  	_ =	shalt  }
0x4f: {  	_ =	shalt  }
0x50: {  	_ =	shalt  }
0x51: {  	_ =	shalt  }
0x52: {  	_ =	shalt  }
0x53: {  	_ =	shalt  }
0x54: {  	_ =	shalt  }
0x55: {  	_ =	shalt  }
0x56: {  	_ =	shalt  }
0x57: {  	_ =	shalt  }
0x58: {  	_ =	shalt  }
0x59: {  	_ =	shalt  }
0x5a: {  	_ =	shalt  }
0x5b: {  	_ =	shalt  }
0x5c: {  	_ =	shalt  }
0x5d: {  	_ =	shalt  }
0x5e: {  	_ =	shalt  }
0x5f: {  	_ =	shalt  }
0x60: {  	_ =	shalt  }
0x61: {  	_ =	shalt  }
0x62: {  	_ =	shalt  }
0x63: {  	_ =	shalt  }
0x64: {  	_ =	shalt  }
0x65: {  	_ =	shalt  }
0x66: {  	_ =	shalt  }
0x67: {  	_ =	shalt  }
0x68: {  	_ =	shalt  }
0x69: {  	_ =	shalt  }
0x6a: {  	_ =	shalt  }
0x6b: {  	_ =	shalt  }
0x6c: {  	_ =	shalt  }
0x6d: {  	_ =	shalt  }
0x6e: {  	_ =	shalt  }
0x6f: {  	_ =	shalt  }
0x70: {  	_ =	shalt  }
0x71: {  	_ =	shalt  }
0x72: {  	_ =	shalt  }
0x73: {  	_ =	shalt  }
0x74: {  	_ =	shalt  }
0x75: {  	_ =	shalt  }
0x76: {  	_ =	shalt  }
0x77: {  	_ =	shalt  }
0x78: {  	_ =	shalt  }
0x79: {  	_ =	shalt  }
0x7a: {  	_ =	shalt  }
0x7b: {  	_ =	shalt  }
0x7c: {  	_ =	shalt  }
0x7d: {  	_ =	shalt  }
0x7e: {  	_ =	shalt  }
0x7f: {  	_ =	shalt  }
0x80: {  	_ =	shalt  }
0x81: {  	_ =	shalt  }
0x82: {  	_ =	shalt  }
0x83: {  	_ =	shalt  }
0x84: {  	_ =	shalt  }
0x85: {  	_ =	shalt  }
0x86: {  	_ =	shalt  }
0x87: {  	_ =	shalt  }
.Lfunc_end0:
.L_simem_size_0:
called_computation.2_lowered:
.L_overlay_start_0:
0x88: {  	s2 =	sld [smem:$0x3FD9]  }
0x89: {  	s3 =	sld [smem:$0x3FFE];
	_ =	sdelay $0x1  }
0x8a: {  	s1 =	srdreg.scid  }
0x8b: {  	s0 =	sand.u32 $0x1, s1  }
0x8c: {  	s17 =	sshll.u32 s0, $0xA;
	s2 =	sadd.s32 s3, s2  }
0x8d: {  	s2 =	sadd.s32 s2, s17  }
0x8e: {  	[smem:$0x3FBF] =	sst s2  }
0x8f: {  	_ = 	snop  }
0x90: {  	s18 =	sld [smem:$0x3FC8];
	(tm) =	ssettm $0x1  }
0x91: {  	s19 =	sld [smem:$0x3FFB];
	_ =	sdelay $0x3  }
0x92: {  	_ =	strace s19  }
0x93: {  	s2 =	sld [smem:$0x3FFC];
	_ =	sdelay $0x3  }
0x94: {  	_ =	strace s2  }
0x95: {  	s2 =	sld [smem:$0x3FFD];
	_ =	sdelay $0x3  }
0x96: {  	_ =	strace s2  }
0x97: {  	_ =	strace $0x8FFFFFFF  }
0x98: {  	s20 =	sld [smem:$0x3FDB];
	_ =	sdelay $0x1  }
0x99: {  	s4 =	simm.s32 $_scs_section_size  }
0x9a: {  	s5 =	simm.s32 $_size__tile_overlayer_lowered;
	s6 =	simm.s32 $_tile_overlayer_lowered  }
0x9b: {  	s7 =	simm.s32 $0x1BFF;
	s21 =	sshll.u32 s6, $0x1;
	s4 =	sadd.s32 s4, s20  }
0x9c: {  	s22 =	simm.s32 $0x0;
	s5 =	sshll.u32 s5, $0x1;
	s6 =	sadd.s32 s21, s4  }
0x9d: {  	[timem:s22], [sflag:s7] =	dma.local [hbm:s6], s5  }
0x9e: {  	_ =	swait.ge [sflag:s7], s5  }
0x9f: {  	s5 =	ssub.s32 $0x0, s5;
	[sflag:s7] =	ssyncset.done $0x0  }
0xa0: {  	[sflag:s7] =	ssyncadd.s32 s5;
	_ =	sdelay $0x1  }
0xa1: {  	s23 =	simm.s32 $0x1B8B  }
0xa2: {  	_ =	swait.ge [sflag:s23], $0x1  }
0xa3: {  	[sflag:s23] =	ssyncset.done $0x0  }
0xa4: {  	[sflag:s23] =	ssyncadd.s32 $0xFFFFFFFF  }
0xa5: {  	s5 =	sld [smem:$0x0]  }
0xa6: {  	s6 =	sand.u32 $0xFFFFFFFE, s1  }
0xa7: {  	p0 =	sne.s32 s1, s6  }
0xa8: {  	s6 =	sshll.u32 @p0 s6, $0xE  }
0xa9: {  	s6 =	sadd.s32 @p0 $0x11B8D, s6;
	s7 =	sshll.u32 @p0 s5, $0x11  }
0xaa: {  	s6 =	sor.u32 @p0 s7, s6  }
0xab: {  	[sflag:s6] =	ssyncadd.remote.s32 @p0 $0x1;
	_ =	sdelay $0x1  }
0xac: {  	s6 =	simm.s32 @p0 $0x1B8D  }
0xad: {  	_ =	swait.eq @p0 [sflag:s6], $0x1  }
0xae: {  	[sflag:s6] =	ssyncadd.s32 @p0 $0xFFFFFFFF  }
0xaf: {  	s7 =	sshll.u32 @!p0 s1, $0xE  }
0xb0: {  	s7 =	sor.u32 @!p0 $0x4000, s7;
	s6 =	simm.s32 @!p0 $0x1B8D  }
0xb1: {  	s5 =	sshll.u32 @!p0 s5, $0x11;
	s7 =	sadd.s32 @!p0 $0x11B8D, s7;
	_ =	swait.eq @!p0 [sflag:s6], $0x1  }
0xb2: {  	s5 =	sor.u32 @!p0 s5, s7;
	[sflag:s6] =	ssyncadd.s32 @!p0 $0xFFFFFFFF  }
0xb3: {  	s25 =	simm.s32 $0x1B8E;
	s24 =	sld [smem:$0x3FFE];
	[sflag:s5] =	ssyncadd.remote.s32 @!p0 $0x1  }
0xb4: {  	s26 =	simm.s32 $execute0_lowered;
	[smem:$0x3FD2] =	sst s25  }
0xb5: {  	s6 =	sshll.u32 s26, $0x1;
	_ =	strace $0x8000004C;
	[dreg:$0x1] =	wrdreg $0xFFFFFFFF  }
0xb6: {  	s28 =	simm.s32 $_size_execute0_lowered;
	s4 =	sadd.s32 s4, s6;
	[dreg:$0x0] =	wrdreg $0x0  }
0xb7: {  	s6 =	sshll.u32 s28, $0x1;
	[dreg:$0x2] =	wrdreg s4  }
0xb8: {  	[dreg:$0x3] =	wrdreg s6  }
0xb9: {  	[dreg:$0x4] =	wrdreg $0xC0  }
0xba: {  	_ =	task [dreg:s22], $0x5FFFF  }
0xbb: {  	[dreg:$0x1] =	wrdreg $0xFFFFFFFF  }
0xbc: {  	[dreg:$0x0] =	wrdreg $0x60  }
0xbd: {  	[dreg:$0x2] =	wrdreg s18  }
0xbe: {  	[dreg:$0x3] =	wrdreg s24  }
0xbf: {  	[dreg:$0x4] =	wrdreg $0xA  }
0xc0: {  	_ =	task.clear_ibuf [dreg:s22], $0x5FFFF;
	_ =	strace $0x9000004C  }
0xc1: {  	s29 =	simm.s32 $0xA;
	_ =	strace $0x8000004E  }
0xc2: {  	_ =	swait.ge [sflag:s29], $0x1  }
0xc3: {  	[sflag:s29] =	ssyncadd.s32 $0xFFFFFFFF  }
0xc4: {  	_ =	strace $0x9000004E  }
0xc5: {  	_ =	sfence  }
0xc6: {  	s30 =	sld [smem:$0x0];
	_ =	sdelay $0x2  }
0xc7: {  	s31 =	sshll.u32 s1, $0xD;
	s1 =	sshrl.u32 s1, $0x2  }
0xc8: {  	s4 =	sand.u32 $0x4000, s31;
	s1 =	sadd.s32 s1, s30  }
0xc9: {  	s0 =	sor.u32 s4, s0;
	s1 =	sshll.u32 s1, $0x11  }
0xca: {  	s0 =	sor.u32 s1, s0  }
0xcb: {  	s0 =	sadd.s32 $0x8F2B, s0  }
0xcc: {  	[sflag:s0] =	ssyncadd.remote.s32 $0x1  }
0xcd: {  	_ =	sfence.sel $0xFFFF  }
0xce: {  	[dreg:$0x0] =	wrdreg $0xFFFFFFFF;
	(pc) =	sbr.abs _section_cstart, $3  }
0xcf: {  	[dreg:$0x1] =	wrdreg $0xFFFFFFFF  }
0xd0: {  	_ =	task.clear_ibuf [dreg:s22], $0x2FFFF;
	_ =	strace $0x9FFFFFFF  }
0xd1: {  	(tm) =	ssettm $0x7FFFFFFF  }
tec
execute0_lowered:
.L_overlay_start_1:
0x0: {  	(tag) =	ssettag $0x1  }
0x1: {  	s1 =	rddreg [dreg:$0x0]  }
0x2: {  	s4 =	rddreg [dreg:$0x1]  }
0x3: {  	s0 =	rddreg [dreg:$0x2];
	s5 =	srdreg.scid  }
0x4: {  	s3 =	simm.s32 $0x0;
	s2 =	stileid.u32;
	s10 =	simm.s32 $0x0  }
0x5: {  	s5 =	sand.u32 $0x1, s5;
	[smem:$0x7FF] =	sst s3;
	s6 =	sshll.u32 s2, $0xE  }
0x6: {  	s8 =	sshll.u32 s2, $0x12;
	s7 =	sshll.u32 s5, $0xD;
	_ =	strace $0x8000004D  }
0x7: {  	s31 =	ssub.s32 $0x2, s5;
	s8 =	sadd.s32 s8, s4;
	s5 =	sshll.u32 s5, $0x11  }
0x8: {  	s6 =	sor.u32 s7, s6;
	s9 =	sshrl.u32 s31, $0x1;
	s5 =	sadd.s32 s5, s8  }
0x9: {  	s8 =	simm.s32 $0x80;
	s6 =	sshrl.u32 s6, $0x3;
	s7 =	ssub.s32 s31, s9  }
0xa: {  	s5 =	sadd.s32 $0x4AC00, s5;
	s9 =	simm.s32 $0x1;
	s6 =	sadd.s32 s6, s4  }
0xb: {  	s4 =	smax.u32 s7, $0x1;
	s7 =	simm.s32 $0x2;
	s6 =	sadd.s32 $0x42C00, s6  }
.LBB2_1:
0xc: {  	s11 =	sadd.s32 $0x0, s6  }
0xd: {  	[tilespmem:s3], [sflag:$0x2] =	stream.linear.gather [hbm4b:s11+s3], $0x80, $0x38;
	[tilespmem:$0x4080] =	vst v63  }
0xe: {  	_ =	swait.ge [sflag:s7], $0x80  }
0xf: {  	[sflag:s7] =	ssyncset.done $0x0  }
0x10: {  	[sflag:s7] =	ssyncadd.s32 $0xFFFFFF80  }
0x11: {  	[tilespmem:s8], [sflag:$0x1] =	stream.indirect.gather [hbm4b:s1+s8], $0x80, s3, s8, $0xb8;
	[tilespmem:$0x4080] =	vst v63  }
0x12: {  	_ =	swait.ge [sflag:s9], $0x4000  }
0x13: {  	[sflag:s9] =	ssyncset.done $0x0  }
0x14: {  	[sflag:s9] =	ssyncadd.s32 $0xFFFFC000  }
0x15: {  	[hbm4b:s5+s3] =	stream.linear.scatter [tilespmem:s8], [sflag:$0x2], $0x4000, $0x38;
	[tilespmem:$0x4080] =	vst v63  }
0x16: {  	s12 =	simm.s32 $0x10;
	_ =	swait.ge [sflag:s7], $0x4000  }
0x17: {  	s13 =	simm.s32 $0x20;
	s11 =	sadd.s32 $0x800, s5;
	[sflag:s7] =	ssyncset.done $0x0  }
.LBB2_2:
0x18: {  	s14 =	sadd.s32 s12, s6  }
0x19: {  	[sflag:s7] =	ssyncadd.s32 $0xFFFFC000;
	s12 =	smov.u32 s13;
	s15 =	sadd.s32 $0x10, s13  }
0x1a: {  	[tilespmem:s3], [sflag:$0x2] =	stream.linear.gather [hbm4b:s14+s3], $0x80, $0x38;
	[tilespmem:$0x4080] =	vst v63  }
0x1b: {  	p0 =	sne.s32 s13, $0x3F0;
	_ =	swait.ge [sflag:s7], $0x80  }
0x1c: {  	[sflag:s7] =	ssyncset.done $0x0  }
0x1d: {  	[sflag:s7] =	ssyncadd.s32 $0xFFFFFF80  }
0x1e: {  	[tilespmem:s8], [sflag:$0x1] =	stream.indirect.gather [hbm4b:s1+s8], $0x80, s3, s8, $0xb8;
	[tilespmem:$0x4080] =	vst v63  }
0x1f: {  	_ =	swait.ge [sflag:s9], $0x4000  }
.Ltmp0:
0x20: {  	[sflag:s9] =	ssyncset.done $0x0;
	(pc) =	sbr.rel @p0 .LBB2_2-.Ltmp0, $4  }
0x21: {  	[sflag:s9] =	ssyncadd.s32 $0xFFFFC000  }
0x22: {  	[hbm4b:s11+s3] =	stream.linear.scatter [tilespmem:s8], [sflag:$0x2], $0x4000, $0x38;
	[tilespmem:$0x4080] =	vst v63  }
0x23: {  	_ =	swait.ge [sflag:s7], $0x4000  }
0x24: {  	s13 =	smov.u32 s15;
	s11 =	sadd.s32 $0x800, s11;
	[sflag:s7] =	ssyncset.done $0x0  }
0x25: {  	s12 =	sadd.s32 s12, s6;
	[sflag:s7] =	ssyncadd.s32 $0xFFFFC000  }
0x26: {  	[tilespmem:s3], [sflag:$0x2] =	stream.linear.gather [hbm4b:s12+s3], $0x80, $0x38;
	[tilespmem:$0x4080] =	vst v63  }
0x27: {  	_ =	swait.ge [sflag:s7], $0x80  }
0x28: {  	[sflag:s7] =	ssyncset.done $0x0  }
0x29: {  	[sflag:s7] =	ssyncadd.s32 $0xFFFFFF80  }
0x2a: {  	[tilespmem:s8], [sflag:$0x1] =	stream.indirect.gather [hbm4b:s1+s8], $0x80, s3, s8, $0xb8;
	[tilespmem:$0x4080] =	vst v63  }
0x2b: {  	s10 =	sadd.s32 $0x1, s10;
	_ =	swait.ge [sflag:s9], $0x4000  }
0x2c: {  	p0 =	sne.s32 s10, s4;
	[sflag:s9] =	ssyncset.done $0x0  }
.Ltmp1:
0x2d: {  	[sflag:s9] =	ssyncadd.s32 $0xFFFFC000;
	(pc) =	sbr.rel @p0 .LBB2_1-.Ltmp1, $4  }
0x2e: {  	[hbm4b:s11+s3] =	stream.linear.scatter [tilespmem:s8], [sflag:$0x2], $0x4000, $0x38;
	[tilespmem:$0x4080] =	vst v63  }
0x2f: {  	_ =	swait.ge [sflag:s7], $0x4000  }
0x30: {  	[sflag:s7] =	ssyncset.done $0x0  }
0x31: {  	[sflag:s7] =	ssyncadd.s32 $0xFFFFC000  }
0x32: {  	_ =	sfence.sel $0x180000  }
0x33: {  	[bflag:$0x0] =	sbarrier.arrive $0xFFFF  }
0x34: {  	p0 =	sne.s32 s2, $0x0;
	_ =	strace $0x9000004D  }
0x35: {  	s0 =	sadd.s32 @!p0 $0x100000, s0;
	[bflag:$0x2] =	sbarrier.arrive $0xFFFF  }
0x36: {  	[sflag:s0] =	ssyncadd.tile.s32 @!p0 $0x1;
	_ =	shalt  }
.Lfunc_end2:
_tile_overlayer_lowered:
.L_overlay_start_2:
0x37: {  	(tag) =	ssettag $0x2  }
0x38: {  	s0 =	rddreg [dreg:$0x0];
	s2 =	stileid.u32  }
0x39: {  	s1 =	rddreg [dreg:$0x1];
	p0 =	sne.s32 s2, $0x0  }
0x3a: {  	s3 =	rddreg [dreg:$0x2];
	[bflag:$0x3] =	sbarrier.arrive $0xFFFF;
	s2 =	simm.s32 @!p0 $0x1C02  }
0x3b: {  	[timem:s3], [sflag:s2] =	dma.local @!p0 [hbm:s0], s1  }
0x3c: {  	s0 =	simm.s32 @!p0 $0x2  }
0x3d: {  	_ =	swait.ge @!p0 [sflag:s0], s1  }
0x3e: {  	s1 =	ssub.s32 @!p0 $0x0, s1;
	[sflag:s0] =	ssyncset.done @!p0 $0x0  }
0x3f: {  	[sflag:s0] =	ssyncadd.s32 @!p0 s1  }
0x40: {  	[bflag:$0x3] =	sbarrier.arrive $0xFFFF  }
0x41: {  	_ =	shalt  }

</sc_bundles>
